<compile_context>
chip_gen: v7x
topology: tpu7x:2x2x1
jax: 0.10.2.dev20260603
libtpu: 0.0.44.dev20260713+nightly
codegen_flags: <defaults>
</compile_context>

<pallas_src>
import functools

import jax
import jax.numpy as jnp
from jax import lax
from jax.experimental import pallas as pl
from jax.experimental.pallas import tpu as pltpu
from jax.experimental.pallas import tpu_sc as plsc

_NC = 2
_NS = 16
_LANES = 16


def _sc_pair_accum(attr_pad, pid_pad, w1v, b1v, *, ppad, epad, rpt):
    mesh = plsc.VectorSubcoreMesh(core_axis_name="c", subcore_axis_name="s")

    @functools.partial(
        pl.kernel,
        mesh=mesh,
        out_type=jax.ShapeDtypeStruct((ppad, 2 * _LANES), jnp.float32),
        scratch_types=[
            pltpu.VMEM((epad,), jnp.int32),
            pltpu.VMEM((epad,), jnp.float32),
            pltpu.VMEM((rpt + 8, 2 * _LANES), jnp.float32),
            pltpu.VMEM((_LANES,), jnp.float32),
            pltpu.VMEM((_LANES,), jnp.float32),
        ],
    )
    def k(attr_hbm, pid_hbm, w1_hbm, b1_hbm, out_hbm,
          pid_v, attr_v, acc_v, w1_v, b1_v):
        c = lax.axis_index("c")
        s = lax.axis_index("s")
        wid = c * _NS + s
        rbase = wid * rpt
        pltpu.sync_copy(attr_hbm, attr_v)
        pltpu.sync_copy(pid_hbm, pid_v)
        pltpu.sync_copy(w1_hbm, w1_v)
        pltpu.sync_copy(b1_hbm, b1_v)
        w1r = w1_v[...]
        b1r = b1_v[...]
        cntv = jnp.where(lax.iota(jnp.int32, _LANES) == 0, 1.0, 0.0)
        zv = jnp.zeros((_LANES,), jnp.float32)

        def zbody(r, carry):
            acc_v[r, 0:_LANES] = zv
            acc_v[r, _LANES:2 * _LANES] = zv
            return carry
        lax.fori_loop(0, rpt + 8, zbody, 0)

        def ebody(g, carry):
            av = attr_v[pl.ds(g * _LANES, _LANES)]
            pv = pid_v[pl.ds(g * _LANES, _LANES)]
            lv = pv - rbase
            inr = (lv >= 0) & (lv < rpt)
            iv = jnp.where(inr, lv, rpt)
            for j in range(_LANES):
                a = jnp.full((_LANES,), av[j], jnp.float32)
                h = jnp.maximum(a * w1r + b1r, 0.0)
                idx = iv[j]
                plsc.addupdate(acc_v.at[idx, 0:_LANES], h)
                plsc.addupdate(acc_v.at[idx, _LANES:2 * _LANES], cntv)
            return carry
        lax.fori_loop(0, epad // _LANES, ebody, 0)

        pltpu.sync_copy(acc_v.at[pl.ds(0, rpt)],
                        out_hbm.at[pl.ds(rbase, rpt)])

    return k(attr_pad, pid_pad, w1v, b1v)


def _tc_build_w(hraw, w2r, b2r, *, in_ch, out_ch, ppad, npair):
    ic = 4

    def body(h_ref, w2_ref, b2_ref, o_ref):
        h = h_ref[...]
        h16 = h[:, :_LANES]
        cnt = h[:, _LANES:_LANES + 1]
        for j in range(ic):
            wi = jnp.dot(h16, w2_ref[j], preferred_element_type=jnp.float32)
            o_ref[j] = (wi + cnt * b2_ref[j])[:o_ref.shape[1]].astype(
                jnp.bfloat16)

    return pl.pallas_call(
        body,
        grid=(in_ch // ic,),
        in_specs=[
            pl.BlockSpec((ppad, 2 * _LANES), lambda i: (0, 0)),
            pl.BlockSpec((ic, _LANES, out_ch), lambda i: (i, 0, 0)),
            pl.BlockSpec((ic, 1, out_ch), lambda i: (i, 0, 0)),
        ],
        out_specs=pl.BlockSpec((ic, npair, out_ch), lambda i: (i, 0, 0)),
        out_shape=jax.ShapeDtypeStruct((in_ch, npair, out_ch), jnp.bfloat16),
    )(hraw, w2r, b2r)


def _tc_matmul(st2, wbig, *, bb):
    b, k = st2.shape
    _, nxo = wbig.shape

    def body(x_ref, w_ref, o_ref):
        o_ref[...] = jnp.dot(x_ref[...], w_ref[...],
                             preferred_element_type=jnp.float32)

    return pl.pallas_call(
        body,
        grid=(b // bb,),
        in_specs=[
            pl.BlockSpec((bb, k), lambda i: (i, 0)),
            pl.BlockSpec((k, nxo), lambda i: (0, 0)),
        ],
        out_specs=pl.BlockSpec((bb, nxo), lambda i: (i, 0)),
        out_shape=jax.ShapeDtypeStruct((b, nxo), jnp.float32),
    )(st2, wbig)


def _tc_epilogue(state, pos_feat, agg3, root_w, root_b, lw1, lb1, lw2, lb2,
                 lw3, lb3, *, bb):
    b, n, c_raw = state.shape
    p = pos_feat.shape[-1]
    in_ch = c_raw + p
    out_ch = agg3.shape[-1]
    hid = lw2.shape[0]
    nb = b // bb

    def body(s_ref, pos_ref, a_ref, rw_ref, rb_ref, lw1_ref, lb1_ref,
             lw2_ref, lb2_ref, lw3_ref, lb3_ref, act_ref, part_ref):
        aggf = a_ref[...].reshape(bb * n, out_ch)
        posb = jnp.broadcast_to(pos_ref[...][None], (bb, n, p))
        s3 = jnp.concatenate([s_ref[...], posb], axis=-1)
        sf = s3.reshape(bb * n, in_ch)
        root = jnp.dot(sf, rw_ref[...], preferred_element_type=jnp.float32)
        out1 = jnp.maximum(root + rb_ref[...] + aggf, 0.0)

        t = s3[:, :, 1:2]
        total = jnp.sum(t, axis=1, keepdims=True)
        totf = jnp.broadcast_to(total, (bb, n, 1)).reshape(bb * n, 1)

        lw1v = lw1_ref[...]
        x1 = (jnp.dot(out1, lw1v[:out_ch], preferred_element_type=jnp.float32)
              + totf * lw1v[out_ch:out_ch + 1]
              + jnp.dot(sf, lw1v[out_ch + 1:], preferred_element_type=jnp.float32)
              + lb1_ref[...])
        x1 = jnp.where(x1 > 0, x1, 0.01 * x1)
        x2 = jnp.dot(x1, lw2_ref[...], preferred_element_type=jnp.float32) + lb2_ref[...]
        x2 = jnp.where(x2 > 0, x2, 0.01 * x2)
        x3 = jnp.dot(x2, lw3_ref[...], preferred_element_type=jnp.float32) + lb3_ref[...]
        conc = jnp.maximum(x3, 0.0) + jnp.log(1.0 + jnp.exp(-jnp.abs(x3)))
        conc3 = conc.reshape(bb, n, 1)
        denom = jnp.sum(conc3, axis=1, keepdims=True) + 1e-20
        act_ref[...] = conc3 / denom
        part_ref[...] = jnp.full((1, 1, 128), jnp.sum(jnp.abs(conc3)),
                                 jnp.float32)

    return pl.pallas_call(
        body,
        grid=(nb,),
        in_specs=[
            pl.BlockSpec((bb, n, c_raw), lambda i: (i, 0, 0)),
            pl.BlockSpec((n, p), lambda i: (0, 0)),
            pl.BlockSpec((bb, n, out_ch), lambda i: (i, 0, 0)),
            pl.BlockSpec((in_ch, out_ch), lambda i: (0, 0)),
            pl.BlockSpec((1, out_ch), lambda i: (0, 0)),
            pl.BlockSpec((in_ch + out_ch + 1, hid), lambda i: (0, 0)),
            pl.BlockSpec((1, hid), lambda i: (0, 0)),
            pl.BlockSpec((hid, hid), lambda i: (0, 0)),
            pl.BlockSpec((1, hid), lambda i: (0, 0)),
            pl.BlockSpec((hid, 1), lambda i: (0, 0)),
            pl.BlockSpec((1, 1), lambda i: (0, 0)),
        ],
        out_specs=[
            pl.BlockSpec((bb, n, 1), lambda i: (i, 0, 0)),
            pl.BlockSpec((1, 1, 128), lambda i: (i, 0, 0)),
        ],
        out_shape=[
            jax.ShapeDtypeStruct((b, n, 1), jnp.float32),
            jax.ShapeDtypeStruct((nb, 1, 128), jnp.float32),
        ],
    )(state, pos_feat, agg3, root_w, root_b, lw1, lb1, lw2, lb2, lw3, lb3)


def kernel(state, edge_index, edge_attr, pos_feat, w1, b1, w2, b2,
           root_w, root_b, lw1, lb1, lw2, lb2, lw3, lb3):
    b, n, c_raw = state.shape
    p = pos_feat.shape[-1]
    in_ch = c_raw + p
    out_ch = root_w.shape[1]
    e = edge_index.shape[1]
    hid = lw2.shape[0]
    npair = n * n
    nw = _NC * _NS

    epad = -(-e // _LANES) * _LANES
    rpt = -(-npair // (nw * 8)) * 8
    ppad = nw * rpt

    src = edge_index[0].astype(jnp.int32)
    dst = edge_index[1].astype(jnp.int32)
    pid = src * n + dst
    pid_pad = jnp.concatenate(
        [pid, jnp.full((epad - e,), npair, jnp.int32)])
    attr_pad = jnp.concatenate(
        [edge_attr[:, 0], jnp.zeros((epad - e,), jnp.float32)])

    hraw = _sc_pair_accum(attr_pad, pid_pad, w1.reshape(_LANES),
                          b1.reshape(_LANES), ppad=ppad, epad=epad, rpt=rpt)

    w2r = w2.reshape(_LANES, in_ch, out_ch).transpose(1, 0, 2)
    b2r = b2.reshape(in_ch, 1, out_ch)
    wflat = _tc_build_w(hraw, w2r, b2r, in_ch=in_ch, out_ch=out_ch,
                        ppad=ppad, npair=npair)
    wbig = wflat.reshape(in_ch * n, n * out_ch)

    pos_b = jnp.broadcast_to(pos_feat[None], (b, n, p))
    s = jnp.concatenate([state, pos_b], axis=-1)
    st2 = s.transpose(0, 2, 1).reshape(b, in_ch * n).astype(jnp.bfloat16)
    agg = _tc_matmul(st2, wbig, bb=64)
    agg3 = agg.reshape(b, n, out_ch)

    act3, parts = _tc_epilogue(
        state, pos_feat, agg3, root_w, root_b.reshape(1, out_ch), lw1,
        lb1.reshape(1, hid), lw2, lb2.reshape(1, hid), lw3,
        lb3.reshape(1, 1), bb=32)
    action = act3.reshape(b, n)
    regularize = jnp.sum(parts[:, 0, 0]) / (b * n)
    return (action, regularize)

# --- scband reference (transcript-rebuilt; emitter-appended) ---
"""Pipeline reference for scband-gnnactor-83150566851231 (READ-ONLY COPY).

The authoritative reference and input builder live on the scoring server;
editing this copy changes nothing except your own understanding.
"""

import jax, jax.numpy as jnp
import numpy as np

POS_INDICES = [120, 124, 128, 132, 136, 140, 144, 148, 152, 237, 241, 245, 249, 253, 257, 261, 265, 269, 354, 358, 362, 366, 370, 374, 378, 382, 386, 471, 475, 479, 483, 487, 491, 495, 499, 503, 588, 592, 596, 600, 604, 608, 612, 616, 620, 705, 709, 713, 717, 721, 725, 729, 733, 737, 822, 826, 830, 834, 838, 842, 846, 850, 854, 48, 53, 60, 67, 73, 157, 352, 388, 583, 586, 817, 901, 906, 913, 920, 926]

def make_pos_feat():
    width, height = 39, 25
    pf = np.zeros((len(POS_INDICES), 6), dtype=np.float32)
    for i, p in enumerate(POS_INDICES):
        x = p % width
        y = p // width
        xn = x / (width - 1)
        yn = y / (height - 1)
        pf[i, 0] = xn
        pf[i, 1] = yn
        pf[i, 2] = np.sin(xn * 2 * np.pi) + 1
        pf[i, 3] = np.cos(xn * 2 * np.pi) + 1
        pf[i, 4] = np.sin(yn * 2 * np.pi) + 1
        pf[i, 5] = np.cos(yn * 2 * np.pi) + 1
    return jnp.asarray(pf)

def setup_inputs(seed: int = 0):
    key = jax.random.key(seed)
    ks = jax.random.split(key, 16)
    B, N, C_RAW, E = 256, 79, 26, 3000
    in_ch = C_RAW + 6
    out_ch = 2 * in_ch
    hidden = 32
    state = jax.random.normal(ks[0], (B, N, C_RAW), dtype=jnp.float32)
    edge_index = jax.random.randint(ks[1], (2, E), 0, N)
    edge_attr = jax.random.uniform(ks[2], (E, 1), dtype=jnp.float32)
    pos_feat = make_pos_feat()
    w1 = jax.random.normal(ks[3], (1, 16), dtype=jnp.float32) * 0.5
    b1 = jnp.zeros((16,), dtype=jnp.float32)
    w2 = jax.random.normal(ks[4], (16, in_ch * out_ch), dtype=jnp.float32) * 0.05
    b2 = jnp.zeros((in_ch * out_ch,), dtype=jnp.float32)
    root_w = jax.random.normal(ks[5], (in_ch, out_ch), dtype=jnp.float32) * 0.1
    root_b = jnp.zeros((out_ch,), dtype=jnp.float32)
    lw1 = jax.random.normal(ks[6], (in_ch + out_ch + 1, hidden), dtype=jnp.float32) * 0.1
    lb1 = jnp.zeros((hidden,), dtype=jnp.float32)
    lw2 = jax.random.normal(ks[7], (hidden, hidden), dtype=jnp.float32) * 0.1
    lb2 = jnp.zeros((hidden,), dtype=jnp.float32)
    lw3 = jax.random.normal(ks[8], (hidden, 1), dtype=jnp.float32) * 0.1
    lb3 = jnp.zeros((1,), dtype=jnp.float32)
    return {"state": state, "edge_index": edge_index, "edge_attr": edge_attr, "pos_feat": pos_feat, "w1": w1, "b1": b1, "w2": w2, "b2": b2, "root_w": root_w, "root_b": root_b, "lw1": lw1, "lb1": lb1, "lw2": lw2, "lb2": lb2, "lw3": lw3, "lb3": lb3}

def reference(state, edge_index, edge_attr, pos_feat, w1, b1, w2, b2, root_w, root_b, lw1, lb1, lw2, lb2, lw3, lb3):
    B, N, _ = state.shape
    in_ch = state.shape[-1] + pos_feat.shape[-1]
    out_ch = root_w.shape[1]
    pos = jnp.broadcast_to(pos_feat[None, :, :], (B, N, pos_feat.shape[-1]))
    s = jnp.concatenate([state, pos], axis=-1)
    # NNConv: edge MLP generates per-edge [in_ch, out_ch] weight matrices
    h = jax.nn.relu(edge_attr @ w1 + b1)
    W = (h @ w2 + b2).reshape(-1, in_ch, out_ch)
    src = edge_index[0]
    dst = edge_index[1]
    x_j = jnp.take(s, src, axis=1)  # [B, E, in_ch] gather
    msg = jnp.einsum('bei,eio->beo', x_j, W)  # per-edge matmul
    agg = jax.vmap(lambda m: jax.ops.segment_sum(m, dst, num_segments=N))(msg)  # scatter-add
    out1 = jax.nn.relu(s @ root_w + root_b + agg)
    total = jnp.sum(s[..., 1], axis=-1, keepdims=True)[..., None]
    total = jnp.broadcast_to(total, (B, N, 1))
    x = jnp.concatenate([out1, total, s], axis=-1)
    x = jax.nn.leaky_relu(x @ lw1 + lb1)
    x = jax.nn.leaky_relu(x @ lw2 + lb2)
    x = jax.nn.softplus(x @ lw3 + lb3)
    conc = jnp.squeeze(x, -1)
    action = conc / (jnp.sum(conc, axis=-1, keepdims=True) + 1e-20)
    regularize = jnp.mean(jnp.abs(conc))
    return (action, regularize)

if __name__ == "__main__":
    import jax
    _d = setup_inputs()
    print(jax.jit(kernel)(*tuple(_d.values())))

</pallas_src>

<mosaic_0001>
#map = affine_map<(d0, d1) -> (0)>
#map1 = affine_map<(d0, d1) -> (0, 0)>
module attributes {stable_mosaic.version = 14 : i64} {
  func.func @k(%arg0: i32, %arg1: i32, %arg2: memref<3008xf32, #tpu.memory_space<hbm>>, %arg3: memref<3008xi32, #tpu.memory_space<hbm>>, %arg4: memref<16xf32, #tpu.memory_space<hbm>>, %arg5: memref<16xf32, #tpu.memory_space<hbm>>, %arg6: memref<6400x32xf32, #tpu.memory_space<hbm>>, %arg7: memref<3008xi32, #tpu.memory_space<vmem>>, %arg8: memref<3008xf32, #tpu.memory_space<vmem>>, %arg9: memref<208x32xf32, #tpu.memory_space<vmem>>, %arg10: memref<16xf32, #tpu.memory_space<vmem>>, %arg11: memref<16xf32, #tpu.memory_space<vmem>>) attributes {dimension_semantics = [#tpu.dimension_semantics<core_parallel>, #tpu.dimension_semantics<subcore_parallel>], iteration_bounds = array<i64: 2, 16>, scalar_prefetch = 0 : i64, scratch_operands = 5 : i64, tpu.core_type = #tpu.core_type<sc_vector_subcore>, window_params = [{transform_indices = #map}, {transform_indices = #map}, {transform_indices = #map}, {transform_indices = #map}, {transform_indices = #map1}]} {
    %mul3A = arith.constant 16 : i32
    %mul3A_0 = arith.muli %arg0, %mul3A : i32
    %add3A = arith.addi %mul3A_0, %arg1 : i32
    %mul3A_1 = arith.constant 200 : i32
    %mul3A_2 = arith.muli %add3A, %mul3A_1 : i32
    "tpu.region"() ({
      %run_scoped3A = tpu.sem_alloc : memref<!tpu.dma_semaphore, #tpu.memory_space<semaphore_mem>>
      tpu.enqueue_dma source(%arg2 : memref<3008xf32, #tpu.memory_space<hbm>>) target(%arg8 : memref<3008xf32, #tpu.memory_space<vmem>>) target_semaphore(%run_scoped3A : memref<!tpu.dma_semaphore, #tpu.memory_space<semaphore_mem>>)
      tpu.wait_dma2 semaphore(%run_scoped3A : memref<!tpu.dma_semaphore, #tpu.memory_space<semaphore_mem>>) src(%arg2 : memref<3008xf32, #tpu.memory_space<hbm>>) dst(%arg8 : memref<3008xf32, #tpu.memory_space<vmem>>)
      tpu.yield
    }) : () -> ()
    "tpu.region"() ({
      %run_scoped3A = tpu.sem_alloc : memref<!tpu.dma_semaphore, #tpu.memory_space<semaphore_mem>>
      tpu.enqueue_dma source(%arg3 : memref<3008xi32, #tpu.memory_space<hbm>>) target(%arg7 : memref<3008xi32, #tpu.memory_space<vmem>>) target_semaphore(%run_scoped3A : memref<!tpu.dma_semaphore, #tpu.memory_space<semaphore_mem>>)
      tpu.wait_dma2 semaphore(%run_scoped3A : memref<!tpu.dma_semaphore, #tpu.memory_space<semaphore_mem>>) src(%arg3 : memref<3008xi32, #tpu.memory_space<hbm>>) dst(%arg7 : memref<3008xi32, #tpu.memory_space<vmem>>)
      tpu.yield
    }) : () -> ()
    "tpu.region"() ({
      %run_scoped3A = tpu.sem_alloc : memref<!tpu.dma_semaphore, #tpu.memory_space<semaphore_mem>>
      tpu.enqueue_dma source(%arg4 : memref<16xf32, #tpu.memory_space<hbm>>) target(%arg10 : memref<16xf32, #tpu.memory_space<vmem>>) target_semaphore(%run_scoped3A : memref<!tpu.dma_semaphore, #tpu.memory_space<semaphore_mem>>)
      tpu.wait_dma2 semaphore(%run_scoped3A : memref<!tpu.dma_semaphore, #tpu.memory_space<semaphore_mem>>) src(%arg4 : memref<16xf32, #tpu.memory_space<hbm>>) dst(%arg10 : memref<16xf32, #tpu.memory_space<vmem>>)
      tpu.yield
    }) : () -> ()
    "tpu.region"() ({
      %run_scoped3A = tpu.sem_alloc : memref<!tpu.dma_semaphore, #tpu.memory_space<semaphore_mem>>
      tpu.enqueue_dma source(%arg5 : memref<16xf32, #tpu.memory_space<hbm>>) target(%arg11 : memref<16xf32, #tpu.memory_space<vmem>>) target_semaphore(%run_scoped3A : memref<!tpu.dma_semaphore, #tpu.memory_space<semaphore_mem>>)
      tpu.wait_dma2 semaphore(%run_scoped3A : memref<!tpu.dma_semaphore, #tpu.memory_space<semaphore_mem>>) src(%arg5 : memref<16xf32, #tpu.memory_space<hbm>>) dst(%arg11 : memref<16xf32, #tpu.memory_space<vmem>>)
      tpu.yield
    }) : () -> ()
    %get3A = arith.constant 0 : index
    %get3A_3 = tpu.vector_load %arg10[%get3A] {strides = array<i32>} : memref<16xf32, #tpu.memory_space<vmem>>, vector<16xf32>,
    %get3A_4 = vector.shape_cast %get3A_3 : vector<16xf32> to vector<16xf32>
    %get3A_5 = arith.constant 0 : index
    %get3A_6 = tpu.vector_load %arg11[%get3A_5] {strides = array<i32>} : memref<16xf32, #tpu.memory_space<vmem>>, vector<16xf32>,
    %get3A_7 = vector.shape_cast %get3A_6 : vector<16xf32> to vector<16xf32>
    %iota3A = tpu.iota {dimensions = array<i32: 0>} : vector<16xi32>
    %eq3A = arith.constant 0 : i32
    %eq3A_8 = vector.broadcast %eq3A : i32 to vector<16xi32>
    %eq3A_9 = arith.cmpi eq, %iota3A, %eq3A_8 : vector<16xi32>
    %jit3A = arith.constant 1.000000e+00 : f32
    %jit3A_10 = arith.constant 0.000000e+00 : f32
    %broadcast_in_dim3A = vector.broadcast %jit3A : f32 to vector<16xf32>
    %broadcast_in_dim3A_11 = vector.broadcast %jit3A_10 : f32 to vector<16xf32>
    %select_n3A = arith.select %eq3A_9, %broadcast_in_dim3A, %broadcast_in_dim3A_11 : vector<16xi1>, vector<16xf32>
    %broadcast_in_dim3A_12 = arith.constant 0.000000e+00 : f32
    %broadcast_in_dim3A_13 = vector.broadcast %broadcast_in_dim3A_12 : f32 to vector<16xf32>
    %scan3A = arith.constant 0 : i32
    %scan3A_14 = arith.constant 0 : i32
    %scan3A_15 = arith.constant 208 : i32
    %scan3A_16 = arith.addi %scan3A_14, %scan3A_15 : i32
    %scan3A_17 = arith.constant 1 : i32
    scf.for %scan3A_25 = %scan3A_14 to %scan3A_16 step %scan3A_17  : i32 {
      %swap3A = arith.index_cast %scan3A_25 : i32 to index
      %swap3A_26 = arith.constant 0 : index
      %swap3A_27 = tpu.vector_load %arg9[%swap3A, %swap3A_26] {strides = array<i32>} : memref<208x32xf32, #tpu.memory_space<vmem>>, vector<1x16xf32>,
      %swap3A_28 = vector.shape_cast %swap3A_27 : vector<1x16xf32> to vector<16xf32>
      %swap3A_29 = vector.shape_cast %broadcast_in_dim3A_13 : vector<16xf32> to vector<1x16xf32>
      tpu.vector_store %arg9[%swap3A, %swap3A_26], %swap3A_29 {strides = array<i32>} : memref<208x32xf32, #tpu.memory_space<vmem>>, vector<1x16xf32>,
      %swap3A_30 = arith.index_cast %scan3A_25 : i32 to index
      %swap3A_31 = arith.constant 16 : index
      %swap3A_32 = tpu.vector_load %arg9[%swap3A_30, %swap3A_31] {strides = array<i32>} : memref<208x32xf32, #tpu.memory_space<vmem>>, vector<1x16xf32>,
      %swap3A_33 = vector.shape_cast %swap3A_32 : vector<1x16xf32> to vector<16xf32>
      %swap3A_34 = vector.shape_cast %broadcast_in_dim3A_13 : vector<16xf32> to vector<1x16xf32>
      tpu.vector_store %arg9[%swap3A_30, %swap3A_31], %swap3A_34 {strides = array<i32>} : memref<208x32xf32, #tpu.memory_space<vmem>>, vector<1x16xf32>,
    }
    %scan3A_18 = arith.constant 208 : i32
    %scan3A_19 = arith.constant 0 : i32
    %scan3A_20 = arith.constant 0 : i32
    %scan3A_21 = arith.constant 188 : i32
    %scan3A_22 = arith.addi %scan3A_20, %scan3A_21 : i32
    %scan3A_23 = arith.constant 1 : i32
    scf.for %scan3A_25 = %scan3A_20 to %scan3A_22 step %scan3A_23  : i32 {
      %mul3A_26 = arith.constant 16 : i32
      %mul3A_27 = arith.muli %scan3A_25, %mul3A_26 : i32
      %get3A_28 = arith.index_cast %mul3A_27 : i32 to index
      %get3A_29 = tpu.vector_load %arg8[%get3A_28] {strides = array<i32>} : memref<3008xf32, #tpu.memory_space<vmem>>, vector<16xf32>,
      %get3A_30 = vector.shape_cast %get3A_29 : vector<16xf32> to vector<16xf32>
      %mul3A_31 = arith.constant 16 : i32
      %mul3A_32 = arith.muli %scan3A_25, %mul3A_31 : i32
      %get3A_33 = arith.index_cast %mul3A_32 : i32 to index
      %get3A_34 = tpu.vector_load %arg7[%get3A_33] {strides = array<i32>} : memref<3008xi32, #tpu.memory_space<vmem>>, vector<16xi32>,
      %get3A_35 = vector.shape_cast %get3A_34 : vector<16xi32> to vector<16xi32>
      %sub3A = vector.broadcast %mul3A_2 : i32 to vector<16xi32>
      %sub3A_36 = arith.subi %get3A_35, %sub3A : vector<16xi32>
      %ge3A = arith.constant 0 : i32
      %ge3A_37 = vector.broadcast %ge3A : i32 to vector<16xi32>
      %ge3A_38 = arith.cmpi sge, %sub3A_36, %ge3A_37 : vector<16xi32>
      %lt3A = arith.constant 200 : i32
      %lt3A_39 = vector.broadcast %lt3A : i32 to vector<16xi32>
      %lt3A_40 = arith.cmpi slt, %sub3A_36, %lt3A_39 : vector<16xi32>
      %and3A = arith.andi %ge3A_38, %lt3A_40 : vector<16xi1>
      %jit3A_41 = arith.constant 200 : i32
      %broadcast_in_dim3A_42 = vector.broadcast %jit3A_41 : i32 to vector<16xi32>
      %select_n3A_43 = arith.select %and3A, %sub3A_36, %broadcast_in_dim3A_42 : vector<16xi1>, vector<16xi32>
      %slice3A = vector.extract_strided_slice %get3A_30 {offsets = [0], sizes = [1], strides = [1]} : vector<16xf32> to vector<1xf32>
      %squeeze3A = vector.extract %slice3A[0] : f32 from vector<1xf32>
      %broadcast_in_dim3A_44 = vector.broadcast %squeeze3A : f32 to vector<16xf32>
      %mul3A_45 = arith.mulf %broadcast_in_dim3A_44, %get3A_4 : vector<16xf32>
      %add3A_46 = arith.addf %mul3A_45, %get3A_7 : vector<16xf32>
      %max3A = arith.constant 0.000000e+00 : f32
      %max3A_47 = vector.broadcast %max3A : f32 to vector<16xf32>
      %max3A_48 = arith.maximumf %add3A_46, %max3A_47 : vector<16xf32>
      %slice3A_49 = vector.extract_strided_slice %select_n3A_43 {offsets = [0], sizes = [1], strides = [1]} : vector<16xi32> to vector<1xi32>
      %squeeze3A_50 = vector.extract %slice3A_49[0] : i32 from vector<1xi32>
      %swap3A = arith.index_cast %squeeze3A_50 : i32 to index
      %swap3A_51 = arith.constant 0 : index
      %swap3A_52 = tpu.vector_load %arg9[%swap3A, %swap3A_51] {strides = array<i32>} : memref<208x32xf32, #tpu.memory_space<vmem>>, vector<1x16xf32>,
      %swap3A_53 = vector.shape_cast %swap3A_52 : vector<1x16xf32> to vector<16xf32>
      %swap3A_54 = vector.shape_cast %max3A_48 : vector<16xf32> to vector<1x16xf32>
      tpu.vector_store %arg9[%swap3A, %swap3A_51], %swap3A_54 {add = true, strides = array<i32>} : memref<208x32xf32, #tpu.memory_space<vmem>>, vector<1x16xf32>,
      %swap3A_55 = arith.index_cast %squeeze3A_50 : i32 to index
      %swap3A_56 = arith.constant 16 : index
      %swap3A_57 = tpu.vector_load %arg9[%swap3A_55, %swap3A_56] {strides = array<i32>} : memref<208x32xf32, #tpu.memory_space<vmem>>, vector<1x16xf32>,
      %swap3A_58 = vector.shape_cast %swap3A_57 : vector<1x16xf32> to vector<16xf32>
      %swap3A_59 = vector.shape_cast %select_n3A : vector<16xf32> to vector<1x16xf32>
      tpu.vector_store %arg9[%swap3A_55, %swap3A_56], %swap3A_59 {add = true, strides = array<i32>} : memref<208x32xf32, #tpu.memory_space<vmem>>, vector<1x16xf32>,
      %slice3A_60 = vector.extract_strided_slice %get3A_30 {offsets = [1], sizes = [1], strides = [1]} : vector<16xf32> to vector<1xf32>
      %squeeze3A_61 = vector.extract %slice3A_60[0] : f32 from vector<1xf32>
      %broadcast_in_dim3A_62 = vector.broadcast %squeeze3A_61 : f32 to vector<16xf32>
      %mul3A_63 = arith.mulf %broadcast_in_dim3A_62, %get3A_4 : vector<16xf32>
      %add3A_64 = arith.addf %mul3A_63, %get3A_7 : vector<16xf32>
      %max3A_65 = arith.constant 0.000000e+00 : f32
      %max3A_66 = vector.broadcast %max3A_65 : f32 to vector<16xf32>
      %max3A_67 = arith.maximumf %add3A_64, %max3A_66 : vector<16xf32>
      %slice3A_68 = vector.extract_strided_slice %select_n3A_43 {offsets = [1], sizes = [1], strides = [1]} : vector<16xi32> to vector<1xi32>
      %squeeze3A_69 = vector.extract %slice3A_68[0] : i32 from vector<1xi32>
      %swap3A_70 = arith.index_cast %squeeze3A_69 : i32 to index
      %swap3A_71 = arith.constant 0 : index
      %swap3A_72 = tpu.vector_load %arg9[%swap3A_70, %swap3A_71] {strides = array<i32>} : memref<208x32xf32, #tpu.memory_space<vmem>>, vector<1x16xf32>,
      %swap3A_73 = vector.shape_cast %swap3A_72 : vector<1x16xf32> to vector<16xf32>
      %swap3A_74 = vector.shape_cast %max3A_67 : vector<16xf32> to vector<1x16xf32>
      tpu.vector_store %arg9[%swap3A_70, %swap3A_71], %swap3A_74 {add = true, strides = array<i32>} : memref<208x32xf32, #tpu.memory_space<vmem>>, vector<1x16xf32>,
      %swap3A_75 = arith.index_cast %squeeze3A_69 : i32 to index
      %swap3A_76 = arith.constant 16 : index
      %swap3A_77 = tpu.vector_load %arg9[%swap3A_75, %swap3A_76] {strides = array<i32>} : memref<208x32xf32, #tpu.memory_space<vmem>>, vector<1x16xf32>,
      %swap3A_78 = vector.shape_cast %swap3A_77 : vector<1x16xf32> to vector<16xf32>
      %swap3A_79 = vector.shape_cast %select_n3A : vector<16xf32> to vector<1x16xf32>
      tpu.vector_store %arg9[%swap3A_75, %swap3A_76], %swap3A_79 {add = true, strides = array<i32>} : memref<208x32xf32, #tpu.memory_space<vmem>>, vector<1x16xf32>,
      %slice3A_80 = vector.extract_strided_slice %get3A_30 {offsets = [2], sizes = [1], strides = [1]} : vector<16xf32> to vector<1xf32>
      %squeeze3A_81 = vector.extract %slice3A_80[0] : f32 from vector<1xf32>
      %broadcast_in_dim3A_82 = vector.broadcast %squeeze3A_81 : f32 to vector<16xf32>
      %mul3A_83 = arith.mulf %broadcast_in_dim3A_82, %get3A_4 : vector<16xf32>
      %add3A_84 = arith.addf %mul3A_83, %get3A_7 : vector<16xf32>
      %max3A_85 = arith.constant 0.000000e+00 : f32
      %max3A_86 = vector.broadcast %max3A_85 : f32 to vector<16xf32>
      %max3A_87 = arith.maximumf %add3A_84, %max3A_86 : vector<16xf32>
      %slice3A_88 = vector.extract_strided_slice %select_n3A_43 {offsets = [2], sizes = [1], strides = [1]} : vector<16xi32> to vector<1xi32>
      %squeeze3A_89 = vector.extract %slice3A_88[0] : i32 from vector<1xi32>
      %swap3A_90 = arith.index_cast %squeeze3A_89 : i32 to index
      %swap3A_91 = arith.constant 0 : index
      %swap3A_92 = tpu.vector_load %arg9[%swap3A_90, %swap3A_91] {strides = array<i32>} : memref<208x32xf32, #tpu.memory_space<vmem>>, vector<1x16xf32>,
      %swap3A_93 = vector.shape_cast %swap3A_92 : vector<1x16xf32> to vector<16xf32>
      %swap3A_94 = vector.shape_cast %max3A_87 : vector<16xf32> to vector<1x16xf32>
      tpu.vector_store %arg9[%swap3A_90, %swap3A_91], %swap3A_94 {add = true, strides = array<i32>} : memref<208x32xf32, #tpu.memory_space<vmem>>, vector<1x16xf32>,
      %swap3A_95 = arith.index_cast %squeeze3A_89 : i32 to index
      %swap3A_96 = arith.constant 16 : index
      %swap3A_97 = tpu.vector_load %arg9[%swap3A_95, %swap3A_96] {strides = array<i32>} : memref<208x32xf32, #tpu.memory_space<vmem>>, vector<1x16xf32>,
      %swap3A_98 = vector.shape_cast %swap3A_97 : vector<1x16xf32> to vector<16xf32>
      %swap3A_99 = vector.shape_cast %select_n3A : vector<16xf32> to vector<1x16xf32>
      tpu.vector_store %arg9[%swap3A_95, %swap3A_96], %swap3A_99 {add = true, strides = array<i32>} : memref<208x32xf32, #tpu.memory_space<vmem>>, vector<1x16xf32>,
      %slice3A_100 = vector.extract_strided_slice %get3A_30 {offsets = [3], sizes = [1], strides = [1]} : vector<16xf32> to vector<1xf32>
      %squeeze3A_101 = vector.extract %slice3A_100[0] : f32 from vector<1xf32>
      %broadcast_in_dim3A_102 = vector.broadcast %squeeze3A_101 : f32 to vector<16xf32>
      %mul3A_103 = arith.mulf %broadcast_in_dim3A_102, %get3A_4 : vector<16xf32>
      %add3A_104 = arith.addf %mul3A_103, %get3A_7 : vector<16xf32>
      %max3A_105 = arith.constant 0.000000e+00 : f32
      %max3A_106 = vector.broadcast %max3A_105 : f32 to vector<16xf32>
      %max3A_107 = arith.maximumf %add3A_104, %max3A_106 : vector<16xf32>
      %slice3A_108 = vector.extract_strided_slice %select_n3A_43 {offsets = [3], sizes = [1], strides = [1]} : vector<16xi32> to vector<1xi32>
      %squeeze3A_109 = vector.extract %slice3A_108[0] : i32 from vector<1xi32>
      %swap3A_110 = arith.index_cast %squeeze3A_109 : i32 to index
      %swap3A_111 = arith.constant 0 : index
      %swap3A_112 = tpu.vector_load %arg9[%swap3A_110, %swap3A_111] {strides = array<i32>} : memref<208x32xf32, #tpu.memory_space<vmem>>, vector<1x16xf32>,
      %swap3A_113 = vector.shape_cast %swap3A_112 : vector<1x16xf32> to vector<16xf32>
      %swap3A_114 = vector.shape_cast %max3A_107 : vector<16xf32> to vector<1x16xf32>
      tpu.vector_store %arg9[%swap3A_110, %swap3A_111], %swap3A_114 {add = true, strides = array<i32>} : memref<208x32xf32, #tpu.memory_space<vmem>>, vector<1x16xf32>,
      %swap3A_115 = arith.index_cast %squeeze3A_109 : i32 to index
      %swap3A_116 = arith.constant 16 : index
      %swap3A_117 = tpu.vector_load %arg9[%swap3A_115, %swap3A_116] {strides = array<i32>} : memref<208x32xf32, #tpu.memory_space<vmem>>, vector<1x16xf32>,
      %swap3A_118 = vector.shape_cast %swap3A_117 : vector<1x16xf32> to vector<16xf32>
      %swap3A_119 = vector.shape_cast %select_n3A : vector<16xf32> to vector<1x16xf32>
      tpu.vector_store %arg9[%swap3A_115, %swap3A_116], %swap3A_119 {add = true, strides = array<i32>} : memref<208x32xf32, #tpu.memory_space<vmem>>, vector<1x16xf32>,
      %slice3A_120 = vector.extract_strided_slice %get3A_30 {offsets = [4], sizes = [1], strides = [1]} : vector<16xf32> to vector<1xf32>
      %squeeze3A_121 = vector.extract %slice3A_120[0] : f32 from vector<1xf32>
      %broadcast_in_dim3A_122 = vector.broadcast %squeeze3A_121 : f32 to vector<16xf32>
      %mul3A_123 = arith.mulf %broadcast_in_dim3A_122, %get3A_4 : vector<16xf32>
      %add3A_124 = arith.addf %mul3A_123, %get3A_7 : vector<16xf32>
      %max3A_125 = arith.constant 0.000000e+00 : f32
      %max3A_126 = vector.broadcast %max3A_125 : f32 to vector<16xf32>
      %max3A_127 = arith.maximumf %add3A_124, %max3A_126 : vector<16xf32>
      %slice3A_128 = vector.extract_strided_slice %select_n3A_43 {offsets = [4], sizes = [1], strides = [1]} : vector<16xi32> to vector<1xi32>
      %squeeze3A_129 = vector.extract %slice3A_128[0] : i32 from vector<1xi32>
      %swap3A_130 = arith.index_cast %squeeze3A_129 : i32 to index
      %swap3A_131 = arith.constant 0 : index
      %swap3A_132 = tpu.vector_load %arg9[%swap3A_130, %swap3A_131] {strides = array<i32>} : memref<208x32xf32, #tpu.memory_space<vmem>>, vector<1x16xf32>,
      %swap3A_133 = vector.shape_cast %swap3A_132 : vector<1x16xf32> to vector<16xf32>
      %swap3A_134 = vector.shape_cast %max3A_127 : vector<16xf32> to vector<1x16xf32>
      tpu.vector_store %arg9[%swap3A_130, %swap3A_131], %swap3A_134 {add = true, strides = array<i32>} : memref<208x32xf32, #tpu.memory_space<vmem>>, vector<1x16xf32>,
      %swap3A_135 = arith.index_cast %squeeze3A_129 : i32 to index
      %swap3A_136 = arith.constant 16 : index
      %swap3A_137 = tpu.vector_load %arg9[%swap3A_135, %swap3A_136] {strides = array<i32>} : memref<208x32xf32, #tpu.memory_space<vmem>>, vector<1x16xf32>,
      %swap3A_138 = vector.shape_cast %swap3A_137 : vector<1x16xf32> to vector<16xf32>
      %swap3A_139 = vector.shape_cast %select_n3A : vector<16xf32> to vector<1x16xf32>
      tpu.vector_store %arg9[%swap3A_135, %swap3A_136], %swap3A_139 {add = true, strides = array<i32>} : memref<208x32xf32, #tpu.memory_space<vmem>>, vector<1x16xf32>,
      %slice3A_140 = vector.extract_strided_slice %get3A_30 {offsets = [5], sizes = [1], strides = [1]} : vector<16xf32> to vector<1xf32>
      %squeeze3A_141 = vector.extract %slice3A_140[0] : f32 from vector<1xf32>
      %broadcast_in_dim3A_142 = vector.broadcast %squeeze3A_141 : f32 to vector<16xf32>
      %mul3A_143 = arith.mulf %broadcast_in_dim3A_142, %get3A_4 : vector<16xf32>
      %add3A_144 = arith.addf %mul3A_143, %get3A_7 : vector<16xf32>
      %max3A_145 = arith.constant 0.000000e+00 : f32
      %max3A_146 = vector.broadcast %max3A_145 : f32 to vector<16xf32>
      %max3A_147 = arith.maximumf %add3A_144, %max3A_146 : vector<16xf32>
      %slice3A_148 = vector.extract_strided_slice %select_n3A_43 {offsets = [5], sizes = [1], strides = [1]} : vector<16xi32> to vector<1xi32>
      %squeeze3A_149 = vector.extract %slice3A_148[0] : i32 from vector<1xi32>
      %swap3A_150 = arith.index_cast %squeeze3A_149 : i32 to index
      %swap3A_151 = arith.constant 0 : index
      %swap3A_152 = tpu.vector_load %arg9[%swap3A_150, %swap3A_151] {strides = array<i32>} : memref<208x32xf32, #tpu.memory_space<vmem>>, vector<1x16xf32>,
      %swap3A_153 = vector.shape_cast %swap3A_152 : vector<1x16xf32> to vector<16xf32>
      %swap3A_154 = vector.shape_cast %max3A_147 : vector<16xf32> to vector<1x16xf32>
      tpu.vector_store %arg9[%swap3A_150, %swap3A_151], %swap3A_154 {add = true, strides = array<i32>} : memref<208x32xf32, #tpu.memory_space<vmem>>, vector<1x16xf32>,
      %swap3A_155 = arith.index_cast %squeeze3A_149 : i32 to index
      %swap3A_156 = arith.constant 16 : index
      %swap3A_157 = tpu.vector_load %arg9[%swap3A_155, %swap3A_156] {strides = array<i32>} : memref<208x32xf32, #tpu.memory_space<vmem>>, vector<1x16xf32>,
      %swap3A_158 = vector.shape_cast %swap3A_157 : vector<1x16xf32> to vector<16xf32>
      %swap3A_159 = vector.shape_cast %select_n3A : vector<16xf32> to vector<1x16xf32>
      tpu.vector_store %arg9[%swap3A_155, %swap3A_156], %swap3A_159 {add = true, strides = array<i32>} : memref<208x32xf32, #tpu.memory_space<vmem>>, vector<1x16xf32>,
      %slice3A_160 = vector.extract_strided_slice %get3A_30 {offsets = [6], sizes = [1], strides = [1]} : vector<16xf32> to vector<1xf32>
      %squeeze3A_161 = vector.extract %slice3A_160[0] : f32 from vector<1xf32>
      %broadcast_in_dim3A_162 = vector.broadcast %squeeze3A_161 : f32 to vector<16xf32>
      %mul3A_163 = arith.mulf %broadcast_in_dim3A_162, %get3A_4 : vector<16xf32>
      %add3A_164 = arith.addf %mul3A_163, %get3A_7 : vector<16xf32>
      %max3A_165 = arith.constant 0.000000e+00 : f32
      %max3A_166 = vector.broadcast %max3A_165 : f32 to vector<16xf32>
      %max3A_167 = arith.maximumf %add3A_164, %max3A_166 : vector<16xf32>
      %slice3A_168 = vector.extract_strided_slice %select_n3A_43 {offsets = [6], sizes = [1], strides = [1]} : vector<16xi32> to vector<1xi32>
      %squeeze3A_169 = vector.extract %slice3A_168[0] : i32 from vector<1xi32>
      %swap3A_170 = arith.index_cast %squeeze3A_169 : i32 to index
      %swap3A_171 = arith.constant 0 : index
      %swap3A_172 = tpu.vector_load %arg9[%swap3A_170, %swap3A_171] {strides = array<i32>} : memref<208x32xf32, #tpu.memory_space<vmem>>, vector<1x16xf32>,
      %swap3A_173 = vector.shape_cast %swap3A_172 : vector<1x16xf32> to vector<16xf32>
      %swap3A_174 = vector.shape_cast %max3A_167 : vector<16xf32> to vector<1x16xf32>
      tpu.vector_store %arg9[%swap3A_170, %swap3A_171], %swap3A_174 {add = true, strides = array<i32>} : memref<208x32xf32, #tpu.memory_space<vmem>>, vector<1x16xf32>,
      %swap3A_175 = arith.index_cast %squeeze3A_169 : i32 to index
      %swap3A_176 = arith.constant 16 : index
      %swap3A_177 = tpu.vector_load %arg9[%swap3A_175, %swap3A_176] {strides = array<i32>} : memref<208x32xf32, #tpu.memory_space<vmem>>, vector<1x16xf32>,
      %swap3A_178 = vector.shape_cast %swap3A_177 : vector<1x16xf32> to vector<16xf32>
      %swap3A_179 = vector.shape_cast %select_n3A : vector<16xf32> to vector<1x16xf32>
      tpu.vector_store %arg9[%swap3A_175, %swap3A_176], %swap3A_179 {add = true, strides = array<i32>} : memref<208x32xf32, #tpu.memory_space<vmem>>, vector<1x16xf32>,
      %slice3A_180 = vector.extract_strided_slice %get3A_30 {offsets = [7], sizes = [1], strides = [1]} : vector<16xf32> to vector<1xf32>
      %squeeze3A_181 = vector.extract %slice3A_180[0] : f32 from vector<1xf32>
      %broadcast_in_dim3A_182 = vector.broadcast %squeeze3A_181 : f32 to vector<16xf32>
      %mul3A_183 = arith.mulf %broadcast_in_dim3A_182, %get3A_4 : vector<16xf32>
      %add3A_184 = arith.addf %mul3A_183, %get3A_7 : vector<16xf32>
      %max3A_185 = arith.constant 0.000000e+00 : f32
      %max3A_186 = vector.broadcast %max3A_185 : f32 to vector<16xf32>
      %max3A_187 = arith.maximumf %add3A_184, %max3A_186 : vector<16xf32>
      %slice3A_188 = vector.extract_strided_slice %select_n3A_43 {offsets = [7], sizes = [1], strides = [1]} : vector<16xi32> to vector<1xi32>
      %squeeze3A_189 = vector.extract %slice3A_188[0] : i32 from vector<1xi32>
      %swap3A_190 = arith.index_cast %squeeze3A_189 : i32 to index
      %swap3A_191 = arith.constant 0 : index
      %swap3A_192 = tpu.vector_load %arg9[%swap3A_190, %swap3A_191] {strides = array<i32>} : memref<208x32xf32, #tpu.memory_space<vmem>>, vector<1x16xf32>,
      %swap3A_193 = vector.shape_cast %swap3A_192 : vector<1x16xf32> to vector<16xf32>
      %swap3A_194 = vector.shape_cast %max3A_187 : vector<16xf32> to vector<1x16xf32>
      tpu.vector_store %arg9[%swap3A_190, %swap3A_191], %swap3A_194 {add = true, strides = array<i32>} : memref<208x32xf32, #tpu.memory_space<vmem>>, vector<1x16xf32>,
      %swap3A_195 = arith.index_cast %squeeze3A_189 : i32 to index
      %swap3A_196 = arith.constant 16 : index
      %swap3A_197 = tpu.vector_load %arg9[%swap3A_195, %swap3A_196] {strides = array<i32>} : memref<208x32xf32, #tpu.memory_space<vmem>>, vector<1x16xf32>,
      %swap3A_198 = vector.shape_cast %swap3A_197 : vector<1x16xf32> to vector<16xf32>
      %swap3A_199 = vector.shape_cast %select_n3A : vector<16xf32> to vector<1x16xf32>
      tpu.vector_store %arg9[%swap3A_195, %swap3A_196], %swap3A_199 {add = true, strides = array<i32>} : memref<208x32xf32, #tpu.memory_space<vmem>>, vector<1x16xf32>,
      %slice3A_200 = vector.extract_strided_slice %get3A_30 {offsets = [8], sizes = [1], strides = [1]} : vector<16xf32> to vector<1xf32>
      %squeeze3A_201 = vector.extract %slice3A_200[0] : f32 from vector<1xf32>
      %broadcast_in_dim3A_202 = vector.broadcast %squeeze3A_201 : f32 to vector<16xf32>
      %mul3A_203 = arith.mulf %broadcast_in_dim3A_202, %get3A_4 : vector<16xf32>
      %add3A_204 = arith.addf %mul3A_203, %get3A_7 : vector<16xf32>
      %max3A_205 = arith.constant 0.000000e+00 : f32
      %max3A_206 = vector.broadcast %max3A_205 : f32 to vector<16xf32>
      %max3A_207 = arith.maximumf %add3A_204, %max3A_206 : vector<16xf32>
      %slice3A_208 = vector.extract_strided_slice %select_n3A_43 {offsets = [8], sizes = [1], strides = [1]} : vector<16xi32> to vector<1xi32>
      %squeeze3A_209 = vector.extract %slice3A_208[0] : i32 from vector<1xi32>
      %swap3A_210 = arith.index_cast %squeeze3A_209 : i32 to index
      %swap3A_211 = arith.constant 0 : index
      %swap3A_212 = tpu.vector_load %arg9[%swap3A_210, %swap3A_211] {strides = array<i32>} : memref<208x32xf32, #tpu.memory_space<vmem>>, vector<1x16xf32>,
      %swap3A_213 = vector.shape_cast %swap3A_212 : vector<1x16xf32> to vector<16xf32>
      %swap3A_214 = vector.shape_cast %max3A_207 : vector<16xf32> to vector<1x16xf32>
      tpu.vector_store %arg9[%swap3A_210, %swap3A_211], %swap3A_214 {add = true, strides = array<i32>} : memref<208x32xf32, #tpu.memory_space<vmem>>, vector<1x16xf32>,
      %swap3A_215 = arith.index_cast %squeeze3A_209 : i32 to index
      %swap3A_216 = arith.constant 16 : index
      %swap3A_217 = tpu.vector_load %arg9[%swap3A_215, %swap3A_216] {strides = array<i32>} : memref<208x32xf32, #tpu.memory_space<vmem>>, vector<1x16xf32>,
      %swap3A_218 = vector.shape_cast %swap3A_217 : vector<1x16xf32> to vector<16xf32>
      %swap3A_219 = vector.shape_cast %select_n3A : vector<16xf32> to vector<1x16xf32>
      tpu.vector_store %arg9[%swap3A_215, %swap3A_216], %swap3A_219 {add = true, strides = array<i32>} : memref<208x32xf32, #tpu.memory_space<vmem>>, vector<1x16xf32>,
      %slice3A_220 = vector.extract_strided_slice %get3A_30 {offsets = [9], sizes = [1], strides = [1]} : vector<16xf32> to vector<1xf32>
      %squeeze3A_221 = vector.extract %slice3A_220[0] : f32 from vector<1xf32>
      %broadcast_in_dim3A_222 = vector.broadcast %squeeze3A_221 : f32 to vector<16xf32>
      %mul3A_223 = arith.mulf %broadcast_in_dim3A_222, %get3A_4 : vector<16xf32>
      %add3A_224 = arith.addf %mul3A_223, %get3A_7 : vector<16xf32>
      %max3A_225 = arith.constant 0.000000e+00 : f32
      %max3A_226 = vector.broadcast %max3A_225 : f32 to vector<16xf32>
      %max3A_227 = arith.maximumf %add3A_224, %max3A_226 : vector<16xf32>
      %slice3A_228 = vector.extract_strided_slice %select_n3A_43 {offsets = [9], sizes = [1], strides = [1]} : vector<16xi32> to vector<1xi32>
      %squeeze3A_229 = vector.extract %slice3A_228[0] : i32 from vector<1xi32>
      %swap3A_230 = arith.index_cast %squeeze3A_229 : i32 to index
      %swap3A_231 = arith.constant 0 : index
      %swap3A_232 = tpu.vector_load %arg9[%swap3A_230, %swap3A_231] {strides = array<i32>} : memref<208x32xf32, #tpu.memory_space<vmem>>, vector<1x16xf32>,
      %swap3A_233 = vector.shape_cast %swap3A_232 : vector<1x16xf32> to vector<16xf32>
      %swap3A_234 = vector.shape_cast %max3A_227 : vector<16xf32> to vector<1x16xf32>
      tpu.vector_store %arg9[%swap3A_230, %swap3A_231], %swap3A_234 {add = true, strides = array<i32>} : memref<208x32xf32, #tpu.memory_space<vmem>>, vector<1x16xf32>,
      %swap3A_235 = arith.index_cast %squeeze3A_229 : i32 to index
      %swap3A_236 = arith.constant 16 : index
      %swap3A_237 = tpu.vector_load %arg9[%swap3A_235, %swap3A_236] {strides = array<i32>} : memref<208x32xf32, #tpu.memory_space<vmem>>, vector<1x16xf32>,
      %swap3A_238 = vector.shape_cast %swap3A_237 : vector<1x16xf32> to vector<16xf32>
      %swap3A_239 = vector.shape_cast %select_n3A : vector<16xf32> to vector<1x16xf32>
      tpu.vector_store %arg9[%swap3A_235, %swap3A_236], %swap3A_239 {add = true, strides = array<i32>} : memref<208x32xf32, #tpu.memory_space<vmem>>, vector<1x16xf32>,
      %slice3A_240 = vector.extract_strided_slice %get3A_30 {offsets = [10], sizes = [1], strides = [1]} : vector<16xf32> to vector<1xf32>
      %squeeze3A_241 = vector.extract %slice3A_240[0] : f32 from vector<1xf32>
      %broadcast_in_dim3A_242 = vector.broadcast %squeeze3A_241 : f32 to vector<16xf32>
      %mul3A_243 = arith.mulf %broadcast_in_dim3A_242, %get3A_4 : vector<16xf32>
      %add3A_244 = arith.addf %mul3A_243, %get3A_7 : vector<16xf32>
      %max3A_245 = arith.constant 0.000000e+00 : f32
      %max3A_246 = vector.broadcast %max3A_245 : f32 to vector<16xf32>
      %max3A_247 = arith.maximumf %add3A_244, %max3A_246 : vector<16xf32>
      %slice3A_248 = vector.extract_strided_slice %select_n3A_43 {offsets = [10], sizes = [1], strides = [1]} : vector<16xi32> to vector<1xi32>
      %squeeze3A_249 = vector.extract %slice3A_248[0] : i32 from vector<1xi32>
      %swap3A_250 = arith.index_cast %squeeze3A_249 : i32 to index
      %swap3A_251 = arith.constant 0 : index
      %swap3A_252 = tpu.vector_load %arg9[%swap3A_250, %swap3A_251] {strides = array<i32>} : memref<208x32xf32, #tpu.memory_space<vmem>>, vector<1x16xf32>,
      %swap3A_253 = vector.shape_cast %swap3A_252 : vector<1x16xf32> to vector<16xf32>
      %swap3A_254 = vector.shape_cast %max3A_247 : vector<16xf32> to vector<1x16xf32>
      tpu.vector_store %arg9[%swap3A_250, %swap3A_251], %swap3A_254 {add = true, strides = array<i32>} : memref<208x32xf32, #tpu.memory_space<vmem>>, vector<1x16xf32>,
      %swap3A_255 = arith.index_cast %squeeze3A_249 : i32 to index
      %swap3A_256 = arith.constant 16 : index
      %swap3A_257 = tpu.vector_load %arg9[%swap3A_255, %swap3A_256] {strides = array<i32>} : memref<208x32xf32, #tpu.memory_space<vmem>>, vector<1x16xf32>,
      %swap3A_258 = vector.shape_cast %swap3A_257 : vector<1x16xf32> to vector<16xf32>
      %swap3A_259 = vector.shape_cast %select_n3A : vector<16xf32> to vector<1x16xf32>
      tpu.vector_store %arg9[%swap3A_255, %swap3A_256], %swap3A_259 {add = true, strides = array<i32>} : memref<208x32xf32, #tpu.memory_space<vmem>>, vector<1x16xf32>,
      %slice3A_260 = vector.extract_strided_slice %get3A_30 {offsets = [11], sizes = [1], strides = [1]} : vector<16xf32> to vector<1xf32>
      %squeeze3A_261 = vector.extract %slice3A_260[0] : f32 from vector<1xf32>
      %broadcast_in_dim3A_262 = vector.broadcast %squeeze3A_261 : f32 to vector<16xf32>
      %mul3A_263 = arith.mulf %broadcast_in_dim3A_262, %get3A_4 : vector<16xf32>
      %add3A_264 = arith.addf %mul3A_263, %get3A_7 : vector<16xf32>
      %max3A_265 = arith.constant 0.000000e+00 : f32
      %max3A_266 = vector.broadcast %max3A_265 : f32 to vector<16xf32>
      %max3A_267 = arith.maximumf %add3A_264, %max3A_266 : vector<16xf32>
      %slice3A_268 = vector.extract_strided_slice %select_n3A_43 {offsets = [11], sizes = [1], strides = [1]} : vector<16xi32> to vector<1xi32>
      %squeeze3A_269 = vector.extract %slice3A_268[0] : i32 from vector<1xi32>
      %swap3A_270 = arith.index_cast %squeeze3A_269 : i32 to index
      %swap3A_271 = arith.constant 0 : index
      %swap3A_272 = tpu.vector_load %arg9[%swap3A_270, %swap3A_271] {strides = array<i32>} : memref<208x32xf32, #tpu.memory_space<vmem>>, vector<1x16xf32>,
      %swap3A_273 = vector.shape_cast %swap3A_272 : vector<1x16xf32> to vector<16xf32>
      %swap3A_274 = vector.shape_cast %max3A_267 : vector<16xf32> to vector<1x16xf32>
      tpu.vector_store %arg9[%swap3A_270, %swap3A_271], %swap3A_274 {add = true, strides = array<i32>} : memref<208x32xf32, #tpu.memory_space<vmem>>, vector<1x16xf32>,
      %swap3A_275 = arith.index_cast %squeeze3A_269 : i32 to index
      %swap3A_276 = arith.constant 16 : index
      %swap3A_277 = tpu.vector_load %arg9[%swap3A_275, %swap3A_276] {strides = array<i32>} : memref<208x32xf32, #tpu.memory_space<vmem>>, vector<1x16xf32>,
      %swap3A_278 = vector.shape_cast %swap3A_277 : vector<1x16xf32> to vector<16xf32>
      %swap3A_279 = vector.shape_cast %select_n3A : vector<16xf32> to vector<1x16xf32>
      tpu.vector_store %arg9[%swap3A_275, %swap3A_276], %swap3A_279 {add = true, strides = array<i32>} : memref<208x32xf32, #tpu.memory_space<vmem>>, vector<1x16xf32>,
      %slice3A_280 = vector.extract_strided_slice %get3A_30 {offsets = [12], sizes = [1], strides = [1]} : vector<16xf32> to vector<1xf32>
      %squeeze3A_281 = vector.extract %slice3A_280[0] : f32 from vector<1xf32>
      %broadcast_in_dim3A_282 = vector.broadcast %squeeze3A_281 : f32 to vector<16xf32>
      %mul3A_283 = arith.mulf %broadcast_in_dim3A_282, %get3A_4 : vector<16xf32>
      %add3A_284 = arith.addf %mul3A_283, %get3A_7 : vector<16xf32>
      %max3A_285 = arith.constant 0.000000e+00 : f32
      %max3A_286 = vector.broadcast %max3A_285 : f32 to vector<16xf32>
      %max3A_287 = arith.maximumf %add3A_284, %max3A_286 : vector<16xf32>
      %slice3A_288 = vector.extract_strided_slice %select_n3A_43 {offsets = [12], sizes = [1], strides = [1]} : vector<16xi32> to vector<1xi32>
      %squeeze3A_289 = vector.extract %slice3A_288[0] : i32 from vector<1xi32>
      %swap3A_290 = arith.index_cast %squeeze3A_289 : i32 to index
      %swap3A_291 = arith.constant 0 : index
      %swap3A_292 = tpu.vector_load %arg9[%swap3A_290, %swap3A_291] {strides = array<i32>} : memref<208x32xf32, #tpu.memory_space<vmem>>, vector<1x16xf32>,
      %swap3A_293 = vector.shape_cast %swap3A_292 : vector<1x16xf32> to vector<16xf32>
      %swap3A_294 = vector.shape_cast %max3A_287 : vector<16xf32> to vector<1x16xf32>
      tpu.vector_store %arg9[%swap3A_290, %swap3A_291], %swap3A_294 {add = true, strides = array<i32>} : memref<208x32xf32, #tpu.memory_space<vmem>>, vector<1x16xf32>,
      %swap3A_295 = arith.index_cast %squeeze3A_289 : i32 to index
      %swap3A_296 = arith.constant 16 : index
      %swap3A_297 = tpu.vector_load %arg9[%swap3A_295, %swap3A_296] {strides = array<i32>} : memref<208x32xf32, #tpu.memory_space<vmem>>, vector<1x16xf32>,
      %swap3A_298 = vector.shape_cast %swap3A_297 : vector<1x16xf32> to vector<16xf32>
      %swap3A_299 = vector.shape_cast %select_n3A : vector<16xf32> to vector<1x16xf32>
      tpu.vector_store %arg9[%swap3A_295, %swap3A_296], %swap3A_299 {add = true, strides = array<i32>} : memref<208x32xf32, #tpu.memory_space<vmem>>, vector<1x16xf32>,
      %slice3A_300 = vector.extract_strided_slice %get3A_30 {offsets = [13], sizes = [1], strides = [1]} : vector<16xf32> to vector<1xf32>
      %squeeze3A_301 = vector.extract %slice3A_300[0] : f32 from vector<1xf32>
      %broadcast_in_dim3A_302 = vector.broadcast %squeeze3A_301 : f32 to vector<16xf32>
      %mul3A_303 = arith.mulf %broadcast_in_dim3A_302, %get3A_4 : vector<16xf32>
      %add3A_304 = arith.addf %mul3A_303, %get3A_7 : vector<16xf32>
      %max3A_305 = arith.constant 0.000000e+00 : f32
      %max3A_306 = vector.broadcast %max3A_305 : f32 to vector<16xf32>
      %max3A_307 = arith.maximumf %add3A_304, %max3A_306 : vector<16xf32>
      %slice3A_308 = vector.extract_strided_slice %select_n3A_43 {offsets = [13], sizes = [1], strides = [1]} : vector<16xi32> to vector<1xi32>
      %squeeze3A_309 = vector.extract %slice3A_308[0] : i32 from vector<1xi32>
      %swap3A_310 = arith.index_cast %squeeze3A_309 : i32 to index
      %swap3A_311 = arith.constant 0 : index
      %swap3A_312 = tpu.vector_load %arg9[%swap3A_310, %swap3A_311] {strides = array<i32>} : memref<208x32xf32, #tpu.memory_space<vmem>>, vector<1x16xf32>,
      %swap3A_313 = vector.shape_cast %swap3A_312 : vector<1x16xf32> to vector<16xf32>
      %swap3A_314 = vector.shape_cast %max3A_307 : vector<16xf32> to vector<1x16xf32>
      tpu.vector_store %arg9[%swap3A_310, %swap3A_311], %swap3A_314 {add = true, strides = array<i32>} : memref<208x32xf32, #tpu.memory_space<vmem>>, vector<1x16xf32>,
      %swap3A_315 = arith.index_cast %squeeze3A_309 : i32 to index
      %swap3A_316 = arith.constant 16 : index
      %swap3A_317 = tpu.vector_load %arg9[%swap3A_315, %swap3A_316] {strides = array<i32>} : memref<208x32xf32, #tpu.memory_space<vmem>>, vector<1x16xf32>,
      %swap3A_318 = vector.shape_cast %swap3A_317 : vector<1x16xf32> to vector<16xf32>
      %swap3A_319 = vector.shape_cast %select_n3A : vector<16xf32> to vector<1x16xf32>
      tpu.vector_store %arg9[%swap3A_315, %swap3A_316], %swap3A_319 {add = true, strides = array<i32>} : memref<208x32xf32, #tpu.memory_space<vmem>>, vector<1x16xf32>,
      %slice3A_320 = vector.extract_strided_slice %get3A_30 {offsets = [14], sizes = [1], strides = [1]} : vector<16xf32> to vector<1xf32>
      %squeeze3A_321 = vector.extract %slice3A_320[0] : f32 from vector<1xf32>
      %broadcast_in_dim3A_322 = vector.broadcast %squeeze3A_321 : f32 to vector<16xf32>
      %mul3A_323 = arith.mulf %broadcast_in_dim3A_322, %get3A_4 : vector<16xf32>
      %add3A_324 = arith.addf %mul3A_323, %get3A_7 : vector<16xf32>
      %max3A_325 = arith.constant 0.000000e+00 : f32
      %max3A_326 = vector.broadcast %max3A_325 : f32 to vector<16xf32>
      %max3A_327 = arith.maximumf %add3A_324, %max3A_326 : vector<16xf32>
      %slice3A_328 = vector.extract_strided_slice %select_n3A_43 {offsets = [14], sizes = [1], strides = [1]} : vector<16xi32> to vector<1xi32>
      %squeeze3A_329 = vector.extract %slice3A_328[0] : i32 from vector<1xi32>
      %swap3A_330 = arith.index_cast %squeeze3A_329 : i32 to index
      %swap3A_331 = arith.constant 0 : index
      %swap3A_332 = tpu.vector_load %arg9[%swap3A_330, %swap3A_331] {strides = array<i32>} : memref<208x32xf32, #tpu.memory_space<vmem>>, vector<1x16xf32>,
      %swap3A_333 = vector.shape_cast %swap3A_332 : vector<1x16xf32> to vector<16xf32>
      %swap3A_334 = vector.shape_cast %max3A_327 : vector<16xf32> to vector<1x16xf32>
      tpu.vector_store %arg9[%swap3A_330, %swap3A_331], %swap3A_334 {add = true, strides = array<i32>} : memref<208x32xf32, #tpu.memory_space<vmem>>, vector<1x16xf32>,
      %swap3A_335 = arith.index_cast %squeeze3A_329 : i32 to index
      %swap3A_336 = arith.constant 16 : index
      %swap3A_337 = tpu.vector_load %arg9[%swap3A_335, %swap3A_336] {strides = array<i32>} : memref<208x32xf32, #tpu.memory_space<vmem>>, vector<1x16xf32>,
      %swap3A_338 = vector.shape_cast %swap3A_337 : vector<1x16xf32> to vector<16xf32>
      %swap3A_339 = vector.shape_cast %select_n3A : vector<16xf32> to vector<1x16xf32>
      tpu.vector_store %arg9[%swap3A_335, %swap3A_336], %swap3A_339 {add = true, strides = array<i32>} : memref<208x32xf32, #tpu.memory_space<vmem>>, vector<1x16xf32>,
      %slice3A_340 = vector.extract_strided_slice %get3A_30 {offsets = [15], sizes = [1], strides = [1]} : vector<16xf32> to vector<1xf32>
      %squeeze3A_341 = vector.extract %slice3A_340[0] : f32 from vector<1xf32>
      %broadcast_in_dim3A_342 = vector.broadcast %squeeze3A_341 : f32 to vector<16xf32>
      %mul3A_343 = arith.mulf %broadcast_in_dim3A_342, %get3A_4 : vector<16xf32>
      %add3A_344 = arith.addf %mul3A_343, %get3A_7 : vector<16xf32>
      %max3A_345 = arith.constant 0.000000e+00 : f32
      %max3A_346 = vector.broadcast %max3A_345 : f32 to vector<16xf32>
      %max3A_347 = arith.maximumf %add3A_344, %max3A_346 : vector<16xf32>
      %slice3A_348 = vector.extract_strided_slice %select_n3A_43 {offsets = [15], sizes = [1], strides = [1]} : vector<16xi32> to vector<1xi32>
      %squeeze3A_349 = vector.extract %slice3A_348[0] : i32 from vector<1xi32>
      %swap3A_350 = arith.index_cast %squeeze3A_349 : i32 to index
      %swap3A_351 = arith.constant 0 : index
      %swap3A_352 = tpu.vector_load %arg9[%swap3A_350, %swap3A_351] {strides = array<i32>} : memref<208x32xf32, #tpu.memory_space<vmem>>, vector<1x16xf32>,
      %swap3A_353 = vector.shape_cast %swap3A_352 : vector<1x16xf32> to vector<16xf32>
      %swap3A_354 = vector.shape_cast %max3A_347 : vector<16xf32> to vector<1x16xf32>
      tpu.vector_store %arg9[%swap3A_350, %swap3A_351], %swap3A_354 {add = true, strides = array<i32>} : memref<208x32xf32, #tpu.memory_space<vmem>>, vector<1x16xf32>,
      %swap3A_355 = arith.index_cast %squeeze3A_349 : i32 to index
      %swap3A_356 = arith.constant 16 : index
      %swap3A_357 = tpu.vector_load %arg9[%swap3A_355, %swap3A_356] {strides = array<i32>} : memref<208x32xf32, #tpu.memory_space<vmem>>, vector<1x16xf32>,
      %swap3A_358 = vector.shape_cast %swap3A_357 : vector<1x16xf32> to vector<16xf32>
      %swap3A_359 = vector.shape_cast %select_n3A : vector<16xf32> to vector<1x16xf32>
      tpu.vector_store %arg9[%swap3A_355, %swap3A_356], %swap3A_359 {add = true, strides = array<i32>} : memref<208x32xf32, #tpu.memory_space<vmem>>, vector<1x16xf32>,
    }
    %scan3A_24 = arith.constant 188 : i32
    "tpu.region"() ({
      %run_scoped3A = tpu.sem_alloc : memref<!tpu.dma_semaphore, #tpu.memory_space<semaphore_mem>>
      %dma_start3A = arith.constant 0 : i32
      %dma_start3A_25 = arith.constant 0 : i32
      %dma_start3A_26 = tpu.memref_slice %arg9[%dma_start3A, %dma_start3A_25] : memref<208x32xf32, #tpu.memory_space<vmem>> -> memref<200x32xf32, #tpu.memory_space<vmem>>
      %dma_start3A_27 = arith.constant 0 : i32
      %dma_start3A_28 = tpu.memref_slice %arg6[%mul3A_2, %dma_start3A_27] : memref<6400x32xf32, #tpu.memory_space<hbm>> -> memref<200x32xf32, #tpu.memory_space<hbm>>
      %dma_start3A_29 = arith.constant 0 : i32
      %dma_start3A_30 = tpu.memref_slice %arg6[%mul3A_2, %dma_start3A_29] : memref<6400x32xf32, #tpu.memory_space<hbm>> -> memref<200x32xf32, #tpu.memory_space<hbm>>
      %dma_start3A_31 = arith.constant 0 : i32
      %dma_start3A_32 = arith.constant 0 : i32
      %dma_start3A_33 = tpu.memref_slice %arg9[%dma_start3A_31, %dma_start3A_32] : memref<208x32xf32, #tpu.memory_space<vmem>> -> memref<200x32xf32, #tpu.memory_space<vmem>>
      tpu.enqueue_dma source(%dma_start3A_33 : memref<200x32xf32, #tpu.memory_space<vmem>>) target(%dma_start3A_30 : memref<200x32xf32, #tpu.memory_space<hbm>>) target_semaphore(%run_scoped3A : memref<!tpu.dma_semaphore, #tpu.memory_space<semaphore_mem>>)
      %dma_wait3A = arith.constant 0 : i32
      %dma_wait3A_34 = arith.constant 0 : i32
      %dma_wait3A_35 = tpu.memref_slice %arg9[%dma_wait3A, %dma_wait3A_34] : memref<208x32xf32, #tpu.memory_space<vmem>> -> memref<200x32xf32, #tpu.memory_space<vmem>>
      %dma_wait3A_36 = arith.constant 0 : i32
      %dma_wait3A_37 = tpu.memref_slice %arg6[%mul3A_2, %dma_wait3A_36] : memref<6400x32xf32, #tpu.memory_space<hbm>> -> memref<200x32xf32, #tpu.memory_space<hbm>>
      %dma_wait3A_38 = arith.constant 0 : i32
      %dma_wait3A_39 = tpu.memref_slice %arg6[%mul3A_2, %dma_wait3A_38] : memref<6400x32xf32, #tpu.memory_space<hbm>> -> memref<200x32xf32, #tpu.memory_space<hbm>>
      %dma_wait3A_40 = arith.constant 0 : i32
      %dma_wait3A_41 = arith.constant 0 : i32
      %dma_wait3A_42 = tpu.memref_slice %arg9[%dma_wait3A_40, %dma_wait3A_41] : memref<208x32xf32, #tpu.memory_space<vmem>> -> memref<200x32xf32, #tpu.memory_space<vmem>>
      tpu.wait_dma2 semaphore(%run_scoped3A : memref<!tpu.dma_semaphore, #tpu.memory_space<semaphore_mem>>) src(%dma_wait3A_42 : memref<200x32xf32, #tpu.memory_space<vmem>>) dst(%dma_wait3A_39 : memref<200x32xf32, #tpu.memory_space<hbm>>)
      tpu.yield
    }) : () -> ()
    return
  }
}

module attributes {stable_mosaic.version = 14 : i64} {
  func.func @body(%arg0: i32, %arg1: memref<6400x32xf32, #tpu.memory_space<vmem>>, %arg2: memref<4x16x64xf32, #tpu.memory_space<vmem>>, %arg3: memref<4x1x64xf32, #tpu.memory_space<vmem>>, %arg4: memref<4x6241x64xbf16, #tpu.memory_space<vmem>>) attributes {dimension_semantics = [#tpu.dimension_semantics<arbitrary>], iteration_bounds = array<i64: 8>, scalar_prefetch = 0 : i64, scratch_operands = 0 : i64, tpu.core_type = #tpu.core_type<tc>, window_params = [{pipeline_mode = #tpu.pipeline_mode<synchronous>, transform_indices = @transform_0, window_bounds = array<i64: 6400, 32>}, {transform_indices = @transform_1, window_bounds = array<i64: 4, 16, 64>}, {transform_indices = @transform_2, window_bounds = array<i64: 4, 1, 64>}, {transform_indices = @transform_3, window_bounds = array<i64: 4, 6241, 64>}]} {
    %get3A = arith.constant 0 : index
    %get3A_0 = arith.constant 0 : index
    %get3A_1 = vector.load %arg1[%get3A, %get3A_0] : memref<6400x32xf32, #tpu.memory_space<vmem>>, vector<6400x32xf32>
    %slice3A = vector.extract_strided_slice %get3A_1 {offsets = [0, 0], sizes = [6400, 16], strides = [1, 1]} : vector<6400x32xf32> to vector<6400x16xf32>
    %slice3A_2 = vector.extract_strided_slice %get3A_1 {offsets = [0, 16], sizes = [6400, 1], strides = [1, 1]} : vector<6400x32xf32> to vector<6400x1xf32>
    %get3A_3 = arith.constant 0 : index
    %get3A_4 = arith.constant 0 : index
    %get3A_5 = arith.constant 0 : index
    %get3A_6 = vector.load %arg2[%get3A_3, %get3A_4, %get3A_5] : memref<4x16x64xf32, #tpu.memory_space<vmem>>, vector<1x16x64xf32>
    %get3A_7 = vector.shape_cast %get3A_6 : vector<1x16x64xf32> to vector<16x64xf32>
    %dot_general3A = arith.constant dense<0.000000e+00> : vector<6400x64xf32>
    %dot_general3A_8 = tpu.matmul %slice3A, %get3A_7, %dot_general3A {dimension_numbers = #tpu.dot_dimension_numbers<[1], [0], [0], [1], [0, 0, 1, 1], [], []>, transpose_lhs_hint = false} : vector<6400x16xf32>, vector<16x64xf32>, vector<6400x64xf32> -> vector<6400x64xf32>
    %get3A_9 = arith.constant 0 : index
    %get3A_10 = arith.constant 0 : index
    %get3A_11 = arith.constant 0 : index
    %get3A_12 = vector.load %arg3[%get3A_9, %get3A_10, %get3A_11] : memref<4x1x64xf32, #tpu.memory_space<vmem>>, vector<1x1x64xf32>
    %get3A_13 = vector.shape_cast %get3A_12 : vector<1x1x64xf32> to vector<1x64xf32>
    %mul3A = vector.broadcast %slice3A_2 : vector<6400x1xf32> to vector<6400x64xf32>
    %mul3A_14 = vector.broadcast %get3A_13 : vector<1x64xf32> to vector<6400x64xf32>
    %mul3A_15 = arith.mulf %mul3A, %mul3A_14 : vector<6400x64xf32>
    %add3A = arith.addf %dot_general3A_8, %mul3A_15 : vector<6400x64xf32>
    %slice3A_16 = vector.extract_strided_slice %add3A {offsets = [0, 0], sizes = [6241, 64], strides = [1, 1]} : vector<6400x64xf32> to vector<6241x64xf32>
    %convert_element_type3A = arith.truncf %slice3A_16 : vector<6241x64xf32> to vector<6241x64xbf16>
    %swap3A = arith.constant 0 : index
    %swap3A_17 = arith.constant 0 : index
    %swap3A_18 = arith.constant 0 : index
    %swap3A_19 = vector.load %arg4[%swap3A, %swap3A_17, %swap3A_18] : memref<4x6241x64xbf16, #tpu.memory_space<vmem>>, vector<1x6241x64xbf16>
    %swap3A_20 = vector.shape_cast %swap3A_19 : vector<1x6241x64xbf16> to vector<6241x64xbf16>
    %swap3A_21 = vector.shape_cast %convert_element_type3A : vector<6241x64xbf16> to vector<1x6241x64xbf16>
    tpu.vector_store %arg4[%swap3A, %swap3A_17, %swap3A_18], %swap3A_21 {strides = array<i32>} : memref<4x6241x64xbf16, #tpu.memory_space<vmem>>, vector<1x6241x64xbf16>,
    %get3A_22 = arith.constant 1 : index
    %get3A_23 = arith.constant 0 : index
    %get3A_24 = arith.constant 0 : index
    %get3A_25 = vector.load %arg2[%get3A_22, %get3A_23, %get3A_24] : memref<4x16x64xf32, #tpu.memory_space<vmem>>, vector<1x16x64xf32>
    %get3A_26 = vector.shape_cast %get3A_25 : vector<1x16x64xf32> to vector<16x64xf32>
    %dot_general3A_27 = arith.constant dense<0.000000e+00> : vector<6400x64xf32>
    %dot_general3A_28 = tpu.matmul %slice3A, %get3A_26, %dot_general3A_27 {dimension_numbers = #tpu.dot_dimension_numbers<[1], [0], [0], [1], [0, 0, 1, 1], [], []>, transpose_lhs_hint = false} : vector<6400x16xf32>, vector<16x64xf32>, vector<6400x64xf32> -> vector<6400x64xf32>
    %get3A_29 = arith.constant 1 : index
    %get3A_30 = arith.constant 0 : index
    %get3A_31 = arith.constant 0 : index
    %get3A_32 = vector.load %arg3[%get3A_29, %get3A_30, %get3A_31] : memref<4x1x64xf32, #tpu.memory_space<vmem>>, vector<1x1x64xf32>
    %get3A_33 = vector.shape_cast %get3A_32 : vector<1x1x64xf32> to vector<1x64xf32>
    %mul3A_34 = vector.broadcast %slice3A_2 : vector<6400x1xf32> to vector<6400x64xf32>
    %mul3A_35 = vector.broadcast %get3A_33 : vector<1x64xf32> to vector<6400x64xf32>
    %mul3A_36 = arith.mulf %mul3A_34, %mul3A_35 : vector<6400x64xf32>
    %add3A_37 = arith.addf %dot_general3A_28, %mul3A_36 : vector<6400x64xf32>
    %slice3A_38 = vector.extract_strided_slice %add3A_37 {offsets = [0, 0], sizes = [6241, 64], strides = [1, 1]} : vector<6400x64xf32> to vector<6241x64xf32>
    %convert_element_type3A_39 = arith.truncf %slice3A_38 : vector<6241x64xf32> to vector<6241x64xbf16>
    %swap3A_40 = arith.constant 1 : index
    %swap3A_41 = arith.constant 0 : index
    %swap3A_42 = arith.constant 0 : index
    %swap3A_43 = vector.load %arg4[%swap3A_40, %swap3A_41, %swap3A_42] : memref<4x6241x64xbf16, #tpu.memory_space<vmem>>, vector<1x6241x64xbf16>
    %swap3A_44 = vector.shape_cast %swap3A_43 : vector<1x6241x64xbf16> to vector<6241x64xbf16>
    %swap3A_45 = vector.shape_cast %convert_element_type3A_39 : vector<6241x64xbf16> to vector<1x6241x64xbf16>
    tpu.vector_store %arg4[%swap3A_40, %swap3A_41, %swap3A_42], %swap3A_45 {strides = array<i32>} : memref<4x6241x64xbf16, #tpu.memory_space<vmem>>, vector<1x6241x64xbf16>,
    %get3A_46 = arith.constant 2 : index
    %get3A_47 = arith.constant 0 : index
    %get3A_48 = arith.constant 0 : index
    %get3A_49 = vector.load %arg2[%get3A_46, %get3A_47, %get3A_48] : memref<4x16x64xf32, #tpu.memory_space<vmem>>, vector<1x16x64xf32>
    %get3A_50 = vector.shape_cast %get3A_49 : vector<1x16x64xf32> to vector<16x64xf32>
    %dot_general3A_51 = arith.constant dense<0.000000e+00> : vector<6400x64xf32>
    %dot_general3A_52 = tpu.matmul %slice3A, %get3A_50, %dot_general3A_51 {dimension_numbers = #tpu.dot_dimension_numbers<[1], [0], [0], [1], [0, 0, 1, 1], [], []>, transpose_lhs_hint = false} : vector<6400x16xf32>, vector<16x64xf32>, vector<6400x64xf32> -> vector<6400x64xf32>
    %get3A_53 = arith.constant 2 : index
    %get3A_54 = arith.constant 0 : index
    %get3A_55 = arith.constant 0 : index
    %get3A_56 = vector.load %arg3[%get3A_53, %get3A_54, %get3A_55] : memref<4x1x64xf32, #tpu.memory_space<vmem>>, vector<1x1x64xf32>
    %get3A_57 = vector.shape_cast %get3A_56 : vector<1x1x64xf32> to vector<1x64xf32>
    %mul3A_58 = vector.broadcast %slice3A_2 : vector<6400x1xf32> to vector<6400x64xf32>
    %mul3A_59 = vector.broadcast %get3A_57 : vector<1x64xf32> to vector<6400x64xf32>
    %mul3A_60 = arith.mulf %mul3A_58, %mul3A_59 : vector<6400x64xf32>
    %add3A_61 = arith.addf %dot_general3A_52, %mul3A_60 : vector<6400x64xf32>
    %slice3A_62 = vector.extract_strided_slice %add3A_61 {offsets = [0, 0], sizes = [6241, 64], strides = [1, 1]} : vector<6400x64xf32> to vector<6241x64xf32>
    %convert_element_type3A_63 = arith.truncf %slice3A_62 : vector<6241x64xf32> to vector<6241x64xbf16>
    %swap3A_64 = arith.constant 2 : index
    %swap3A_65 = arith.constant 0 : index
    %swap3A_66 = arith.constant 0 : index
    %swap3A_67 = vector.load %arg4[%swap3A_64, %swap3A_65, %swap3A_66] : memref<4x6241x64xbf16, #tpu.memory_space<vmem>>, vector<1x6241x64xbf16>
    %swap3A_68 = vector.shape_cast %swap3A_67 : vector<1x6241x64xbf16> to vector<6241x64xbf16>
    %swap3A_69 = vector.shape_cast %convert_element_type3A_63 : vector<6241x64xbf16> to vector<1x6241x64xbf16>
    tpu.vector_store %arg4[%swap3A_64, %swap3A_65, %swap3A_66], %swap3A_69 {strides = array<i32>} : memref<4x6241x64xbf16, #tpu.memory_space<vmem>>, vector<1x6241x64xbf16>,
    %get3A_70 = arith.constant 3 : index
    %get3A_71 = arith.constant 0 : index
    %get3A_72 = arith.constant 0 : index
    %get3A_73 = vector.load %arg2[%get3A_70, %get3A_71, %get3A_72] : memref<4x16x64xf32, #tpu.memory_space<vmem>>, vector<1x16x64xf32>
    %get3A_74 = vector.shape_cast %get3A_73 : vector<1x16x64xf32> to vector<16x64xf32>
    %dot_general3A_75 = arith.constant dense<0.000000e+00> : vector<6400x64xf32>
    %dot_general3A_76 = tpu.matmul %slice3A, %get3A_74, %dot_general3A_75 {dimension_numbers = #tpu.dot_dimension_numbers<[1], [0], [0], [1], [0, 0, 1, 1], [], []>, transpose_lhs_hint = false} : vector<6400x16xf32>, vector<16x64xf32>, vector<6400x64xf32> -> vector<6400x64xf32>
    %get3A_77 = arith.constant 3 : index
    %get3A_78 = arith.constant 0 : index
    %get3A_79 = arith.constant 0 : index
    %get3A_80 = vector.load %arg3[%get3A_77, %get3A_78, %get3A_79] : memref<4x1x64xf32, #tpu.memory_space<vmem>>, vector<1x1x64xf32>
    %get3A_81 = vector.shape_cast %get3A_80 : vector<1x1x64xf32> to vector<1x64xf32>
    %mul3A_82 = vector.broadcast %slice3A_2 : vector<6400x1xf32> to vector<6400x64xf32>
    %mul3A_83 = vector.broadcast %get3A_81 : vector<1x64xf32> to vector<6400x64xf32>
    %mul3A_84 = arith.mulf %mul3A_82, %mul3A_83 : vector<6400x64xf32>
    %add3A_85 = arith.addf %dot_general3A_76, %mul3A_84 : vector<6400x64xf32>
    %slice3A_86 = vector.extract_strided_slice %add3A_85 {offsets = [0, 0], sizes = [6241, 64], strides = [1, 1]} : vector<6400x64xf32> to vector<6241x64xf32>
    %convert_element_type3A_87 = arith.truncf %slice3A_86 : vector<6241x64xf32> to vector<6241x64xbf16>
    %swap3A_88 = arith.constant 3 : index
    %swap3A_89 = arith.constant 0 : index
    %swap3A_90 = arith.constant 0 : index
    %swap3A_91 = vector.load %arg4[%swap3A_88, %swap3A_89, %swap3A_90] : memref<4x6241x64xbf16, #tpu.memory_space<vmem>>, vector<1x6241x64xbf16>
    %swap3A_92 = vector.shape_cast %swap3A_91 : vector<1x6241x64xbf16> to vector<6241x64xbf16>
    %swap3A_93 = vector.shape_cast %convert_element_type3A_87 : vector<6241x64xbf16> to vector<1x6241x64xbf16>
    tpu.vector_store %arg4[%swap3A_88, %swap3A_89, %swap3A_90], %swap3A_93 {strides = array<i32>} : memref<4x6241x64xbf16, #tpu.memory_space<vmem>>, vector<1x6241x64xbf16>,
    return
  }
  func.func @transform_0(%arg0: i32) -> (i32, i32) {
    %c0_i32 = arith.constant 0 : i32
    %c0_i32_0 = arith.constant 0 : i32
    %c0_i32_1 = arith.constant 0 : i32
    return %c0_i32, %c0_i32_0 : i32, i32
  }
  func.func @transform_1(%arg0: i32) -> (i32, i32, i32) {
    %c0_i32 = arith.constant 0 : i32
    %c0_i32_0 = arith.constant 0 : i32
    %c0_i32_1 = arith.constant 0 : i32
    return %arg0, %c0_i32, %c0_i32_0 : i32, i32, i32
  }
  func.func @transform_2(%arg0: i32) -> (i32, i32, i32) {
    %c0_i32 = arith.constant 0 : i32
    %c0_i32_0 = arith.constant 0 : i32
    %c0_i32_1 = arith.constant 0 : i32
    return %arg0, %c0_i32, %c0_i32_0 : i32, i32, i32
  }
  func.func @transform_3(%arg0: i32) -> (i32, i32, i32) {
    %c0_i32 = arith.constant 0 : i32
    %c0_i32_0 = arith.constant 0 : i32
    %c0_i32_1 = arith.constant 0 : i32
    return %arg0, %c0_i32, %c0_i32_0 : i32, i32, i32
  }
}

module attributes {stable_mosaic.version = 14 : i64} {
  func.func @body(%arg0: i32, %arg1: memref<64x2528xbf16, #tpu.memory_space<vmem>>, %arg2: memref<2528x5056xbf16, #tpu.memory_space<vmem>>, %arg3: memref<64x5056xf32, #tpu.memory_space<vmem>>) attributes {dimension_semantics = [#tpu.dimension_semantics<arbitrary>], iteration_bounds = array<i64: 4>, scalar_prefetch = 0 : i64, scratch_operands = 0 : i64, tpu.core_type = #tpu.core_type<tc>, window_params = [{transform_indices = @transform_0, window_bounds = array<i64: 64, 2528>}, {pipeline_mode = #tpu.pipeline_mode<synchronous>, transform_indices = @transform_1, window_bounds = array<i64: 2528, 5056>}, {transform_indices = @transform_2, window_bounds = array<i64: 64, 5056>}]} {
    %get3A = arith.constant 0 : index
    %get3A_0 = arith.constant 0 : index
    %get3A_1 = vector.load %arg1[%get3A, %get3A_0] : memref<64x2528xbf16, #tpu.memory_space<vmem>>, vector<64x2528xbf16>
    %get3A_2 = arith.constant 0 : index
    %get3A_3 = arith.constant 0 : index
    %get3A_4 = vector.load %arg2[%get3A_2, %get3A_3] : memref<2528x5056xbf16, #tpu.memory_space<vmem>>, vector<2528x5056xbf16>
    %dot_general3A = arith.constant dense<0.000000e+00> : vector<64x5056xf32>
    %dot_general3A_5 = tpu.matmul %get3A_1, %get3A_4, %dot_general3A {dimension_numbers = #tpu.dot_dimension_numbers<[1], [0], [0], [1], [0, 0, 1, 1], [], []>, transpose_lhs_hint = false} : vector<64x2528xbf16>, vector<2528x5056xbf16>, vector<64x5056xf32> -> vector<64x5056xf32>
    %swap3A = arith.constant 0 : index
    %swap3A_6 = arith.constant 0 : index
    %swap3A_7 = vector.load %arg3[%swap3A, %swap3A_6] : memref<64x5056xf32, #tpu.memory_space<vmem>>, vector<64x5056xf32>
    tpu.vector_store %arg3[%swap3A, %swap3A_6], %dot_general3A_5 {strides = array<i32>} : memref<64x5056xf32, #tpu.memory_space<vmem>>, vector<64x5056xf32>,
    return
  }
  func.func @transform_0(%arg0: i32) -> (i32, i32) {
    %c0_i32 = arith.constant 0 : i32
    %c0_i32_0 = arith.constant 0 : i32
    return %arg0, %c0_i32 : i32, i32
  }
  func.func @transform_1(%arg0: i32) -> (i32, i32) {
    %c0_i32 = arith.constant 0 : i32
    %c0_i32_0 = arith.constant 0 : i32
    %c0_i32_1 = arith.constant 0 : i32
    return %c0_i32, %c0_i32_0 : i32, i32
  }
  func.func @transform_2(%arg0: i32) -> (i32, i32) {
    %c0_i32 = arith.constant 0 : i32
    %c0_i32_0 = arith.constant 0 : i32
    return %arg0, %c0_i32 : i32, i32
  }
}

module attributes {stable_mosaic.version = 14 : i64} {
  func.func @body(%arg0: i32, %arg1: memref<32x79x26xf32, #tpu.memory_space<vmem>>, %arg2: memref<79x6xf32, #tpu.memory_space<vmem>>, %arg3: memref<32x79x64xf32, #tpu.memory_space<vmem>>, %arg4: memref<32x64xf32, #tpu.memory_space<vmem>>, %arg5: memref<1x64xf32, #tpu.memory_space<vmem>>, %arg6: memref<97x32xf32, #tpu.memory_space<vmem>>, %arg7: memref<1x32xf32, #tpu.memory_space<vmem>>, %arg8: memref<32x32xf32, #tpu.memory_space<vmem>>, %arg9: memref<1x32xf32, #tpu.memory_space<vmem>>, %arg10: memref<32x1xf32, #tpu.memory_space<vmem>>, %arg11: memref<1x1xf32, #tpu.memory_space<vmem>>, %arg12: memref<32x79x1xf32, #tpu.memory_space<vmem>>, %arg13: memref<1x1x128xf32, #tpu.memory_space<vmem>>) attributes {dimension_semantics = [#tpu.dimension_semantics<arbitrary>], iteration_bounds = array<i64: 8>, scalar_prefetch = 0 : i64, scratch_operands = 0 : i64, tpu.core_type = #tpu.core_type<tc>, window_params = [{transform_indices = @transform_0, window_bounds = array<i64: 32, 79, 26>}, {pipeline_mode = #tpu.pipeline_mode<synchronous>, transform_indices = @transform_1, window_bounds = array<i64: 79, 6>}, {transform_indices = @transform_2, window_bounds = array<i64: 32, 79, 64>}, {pipeline_mode = #tpu.pipeline_mode<synchronous>, transform_indices = @transform_3, window_bounds = array<i64: 32, 64>}, {pipeline_mode = #tpu.pipeline_mode<synchronous>, transform_indices = @transform_4, window_bounds = array<i64: 1, 64>}, {pipeline_mode = #tpu.pipeline_mode<synchronous>, transform_indices = @transform_5, window_bounds = array<i64: 97, 32>}, {pipeline_mode = #tpu.pipeline_mode<synchronous>, transform_indices = @transform_6, window_bounds = array<i64: 1, 32>}, {pipeline_mode = #tpu.pipeline_mode<synchronous>, transform_indices = @transform_7, window_bounds = array<i64: 32, 32>}, {pipeline_mode = #tpu.pipeline_mode<synchronous>, transform_indices = @transform_8, window_bounds = array<i64: 1, 32>}, {pipeline_mode = #tpu.pipeline_mode<synchronous>, transform_indices = @transform_9, window_bounds = array<i64: 32, 1>}, {pipeline_mode = #tpu.pipeline_mode<synchronous>, transform_indices = @transform_10, window_bounds = array<i64: 1, 1>}, {transform_indices = @transform_11, window_bounds = array<i64: 32, 79, 1>}, {transform_indices = @transform_12, window_bounds = array<i64: 1, 1, 128>}]} {
    %get3A = arith.constant 0 : index
    %get3A_0 = arith.constant 0 : index
    %get3A_1 = arith.constant 0 : index
    %get3A_2 = vector.load %arg3[%get3A, %get3A_0, %get3A_1] : memref<32x79x64xf32, #tpu.memory_space<vmem>>, vector<32x79x64xf32>
    %reshape3A = vector.shape_cast %get3A_2 : vector<32x79x64xf32> to vector<2528x64xf32>
    %get3A_3 = arith.constant 0 : index
    %get3A_4 = arith.constant 0 : index
    %get3A_5 = vector.load %arg2[%get3A_3, %get3A_4] : memref<79x6xf32, #tpu.memory_space<vmem>>, vector<79x6xf32>
    %broadcast_in_dim3A = vector.shape_cast %get3A_5 : vector<79x6xf32> to vector<1x79x6xf32>
    %broadcast_in_dim3A_6 = vector.shape_cast %broadcast_in_dim3A : vector<1x79x6xf32> to vector<1x79x6xf32>
    %broadcast_in_dim3A_7 = vector.broadcast %broadcast_in_dim3A_6 : vector<1x79x6xf32> to vector<32x79x6xf32>
    %get3A_8 = arith.constant 0 : index
    %get3A_9 = arith.constant 0 : index
    %get3A_10 = arith.constant 0 : index
    %get3A_11 = vector.load %arg1[%get3A_8, %get3A_9, %get3A_10] : memref<32x79x26xf32, #tpu.memory_space<vmem>>, vector<32x79x26xf32>
    %concatenate3A = tpu.concatenate %get3A_11, %broadcast_in_dim3A_7 in 2 : vector<32x79x26xf32>, vector<32x79x6xf32> -> vector<32x79x32xf32>
    %reshape3A_12 = vector.shape_cast %concatenate3A : vector<32x79x32xf32> to vector<2528x32xf32>
    %get3A_13 = arith.constant 0 : index
    %get3A_14 = arith.constant 0 : index
    %get3A_15 = vector.load %arg4[%get3A_13, %get3A_14] : memref<32x64xf32, #tpu.memory_space<vmem>>, vector<32x64xf32>
    %dot_general3A = arith.constant dense<0.000000e+00> : vector<2528x64xf32>
    %dot_general3A_16 = tpu.matmul %reshape3A_12, %get3A_15, %dot_general3A {dimension_numbers = #tpu.dot_dimension_numbers<[1], [0], [0], [1], [0, 0, 1, 1], [], []>, transpose_lhs_hint = false} : vector<2528x32xf32>, vector<32x64xf32>, vector<2528x64xf32> -> vector<2528x64xf32>
    %get3A_17 = arith.constant 0 : index
    %get3A_18 = arith.constant 0 : index
    %get3A_19 = vector.load %arg5[%get3A_17, %get3A_18] : memref<1x64xf32, #tpu.memory_space<vmem>>, vector<1x64xf32>
    %add3A = vector.broadcast %get3A_19 : vector<1x64xf32> to vector<2528x64xf32>
    %add3A_20 = arith.addf %dot_general3A_16, %add3A : vector<2528x64xf32>
    %add3A_21 = arith.addf %add3A_20, %reshape3A : vector<2528x64xf32>
    %max3A = arith.constant 0.000000e+00 : f32
    %max3A_22 = vector.broadcast %max3A : f32 to vector<2528x64xf32>
    %max3A_23 = arith.maximumf %add3A_21, %max3A_22 : vector<2528x64xf32>
    %slice3A = vector.extract_strided_slice %concatenate3A {offsets = [0, 0, 1], sizes = [32, 79, 1], strides = [1, 1, 1]} : vector<32x79x32xf32> to vector<32x79x1xf32>
    %reduce_sum3A = arith.constant dense<0.000000e+00> : vector<32x1xf32>
    %reduce_sum3A_24 = vector.multi_reduction <add>, %slice3A, %reduce_sum3A [1] : vector<32x79x1xf32> to vector<32x1xf32>
    %broadcast_in_dim3A_25 = vector.shape_cast %reduce_sum3A_24 : vector<32x1xf32> to vector<32x1x1xf32>
    %broadcast_in_dim3A_26 = vector.shape_cast %broadcast_in_dim3A_25 : vector<32x1x1xf32> to vector<32x1x1xf32>
    %broadcast_in_dim3A_27 = vector.broadcast %broadcast_in_dim3A_26 : vector<32x1x1xf32> to vector<32x79x1xf32>
    %reshape3A_28 = vector.shape_cast %broadcast_in_dim3A_27 : vector<32x79x1xf32> to vector<2528x1xf32>
    %get3A_29 = arith.constant 0 : index
    %get3A_30 = arith.constant 0 : index
    %get3A_31 = vector.load %arg6[%get3A_29, %get3A_30] : memref<97x32xf32, #tpu.memory_space<vmem>>, vector<97x32xf32>
    %slice3A_32 = vector.extract_strided_slice %get3A_31 {offsets = [0, 0], sizes = [64, 32], strides = [1, 1]} : vector<97x32xf32> to vector<64x32xf32>
    %dot_general3A_33 = arith.constant dense<0.000000e+00> : vector<2528x32xf32>
    %dot_general3A_34 = tpu.matmul %max3A_23, %slice3A_32, %dot_general3A_33 {dimension_numbers = #tpu.dot_dimension_numbers<[1], [0], [0], [1], [0, 0, 1, 1], [], []>, transpose_lhs_hint = false} : vector<2528x64xf32>, vector<64x32xf32>, vector<2528x32xf32> -> vector<2528x32xf32>
    %slice3A_35 = vector.extract_strided_slice %get3A_31 {offsets = [64, 0], sizes = [1, 32], strides = [1, 1]} : vector<97x32xf32> to vector<1x32xf32>
    %mul3A = vector.broadcast %reshape3A_28 : vector<2528x1xf32> to vector<2528x32xf32>
    %mul3A_36 = vector.broadcast %slice3A_35 : vector<1x32xf32> to vector<2528x32xf32>
    %mul3A_37 = arith.mulf %mul3A, %mul3A_36 : vector<2528x32xf32>
    %add3A_38 = arith.addf %dot_general3A_34, %mul3A_37 : vector<2528x32xf32>
    %slice3A_39 = vector.extract_strided_slice %get3A_31 {offsets = [65, 0], sizes = [32, 32], strides = [1, 1]} : vector<97x32xf32> to vector<32x32xf32>
    %dot_general3A_40 = arith.constant dense<0.000000e+00> : vector<2528x32xf32>
    %dot_general3A_41 = tpu.matmul %reshape3A_12, %slice3A_39, %dot_general3A_40 {dimension_numbers = #tpu.dot_dimension_numbers<[1], [0], [0], [1], [0, 0, 1, 1], [], []>, transpose_lhs_hint = false} : vector<2528x32xf32>, vector<32x32xf32>, vector<2528x32xf32> -> vector<2528x32xf32>
    %add3A_42 = arith.addf %add3A_38, %dot_general3A_41 : vector<2528x32xf32>
    %get3A_43 = arith.constant 0 : index
    %get3A_44 = arith.constant 0 : index
    %get3A_45 = vector.load %arg7[%get3A_43, %get3A_44] : memref<1x32xf32, #tpu.memory_space<vmem>>, vector<1x32xf32>
    %add3A_46 = vector.broadcast %get3A_45 : vector<1x32xf32> to vector<2528x32xf32>
    %add3A_47 = arith.addf %add3A_42, %add3A_46 : vector<2528x32xf32>
    %gt3A = arith.constant 0.000000e+00 : f32
    %gt3A_48 = vector.broadcast %gt3A : f32 to vector<2528x32xf32>
    %gt3A_49 = arith.cmpf ogt, %add3A_47, %gt3A_48 : vector<2528x32xf32>
    %mul3A_50 = arith.constant 0.00999999977 : f32
    %mul3A_51 = vector.broadcast %mul3A_50 : f32 to vector<2528x32xf32>
    %mul3A_52 = arith.mulf %mul3A_51, %add3A_47 : vector<2528x32xf32>
    %select_n3A = arith.select %gt3A_49, %add3A_47, %mul3A_52 : vector<2528x32xi1>, vector<2528x32xf32>
    %get3A_53 = arith.constant 0 : index
    %get3A_54 = arith.constant 0 : index
    %get3A_55 = vector.load %arg8[%get3A_53, %get3A_54] : memref<32x32xf32, #tpu.memory_space<vmem>>, vector<32x32xf32>
    %dot_general3A_56 = arith.constant dense<0.000000e+00> : vector<2528x32xf32>
    %dot_general3A_57 = tpu.matmul %select_n3A, %get3A_55, %dot_general3A_56 {dimension_numbers = #tpu.dot_dimension_numbers<[1], [0], [0], [1], [0, 0, 1, 1], [], []>, transpose_lhs_hint = false} : vector<2528x32xf32>, vector<32x32xf32>, vector<2528x32xf32> -> vector<2528x32xf32>
    %get3A_58 = arith.constant 0 : index
    %get3A_59 = arith.constant 0 : index
    %get3A_60 = vector.load %arg9[%get3A_58, %get3A_59] : memref<1x32xf32, #tpu.memory_space<vmem>>, vector<1x32xf32>
    %add3A_61 = vector.broadcast %get3A_60 : vector<1x32xf32> to vector<2528x32xf32>
    %add3A_62 = arith.addf %dot_general3A_57, %add3A_61 : vector<2528x32xf32>
    %gt3A_63 = arith.constant 0.000000e+00 : f32
    %gt3A_64 = vector.broadcast %gt3A_63 : f32 to vector<2528x32xf32>
    %gt3A_65 = arith.cmpf ogt, %add3A_62, %gt3A_64 : vector<2528x32xf32>
    %mul3A_66 = arith.constant 0.00999999977 : f32
    %mul3A_67 = vector.broadcast %mul3A_66 : f32 to vector<2528x32xf32>
    %mul3A_68 = arith.mulf %mul3A_67, %add3A_62 : vector<2528x32xf32>
    %select_n3A_69 = arith.select %gt3A_65, %add3A_62, %mul3A_68 : vector<2528x32xi1>, vector<2528x32xf32>
    %get3A_70 = arith.constant 0 : index
    %get3A_71 = arith.constant 0 : index
    %get3A_72 = vector.load %arg10[%get3A_70, %get3A_71] : memref<32x1xf32, #tpu.memory_space<vmem>>, vector<32x1xf32>
    %dot_general3A_73 = arith.constant dense<0.000000e+00> : vector<2528x1xf32>
    %dot_general3A_74 = tpu.matmul %select_n3A_69, %get3A_72, %dot_general3A_73 {dimension_numbers = #tpu.dot_dimension_numbers<[1], [0], [0], [1], [0, 0, 1, 1], [], []>, transpose_lhs_hint = false} : vector<2528x32xf32>, vector<32x1xf32>, vector<2528x1xf32> -> vector<2528x1xf32>
    %get3A_75 = arith.constant 0 : index
    %get3A_76 = arith.constant 0 : index
    %get3A_77 = vector.load %arg11[%get3A_75, %get3A_76] : memref<1x1xf32, #tpu.memory_space<vmem>>, vector<1x1xf32>
    %add3A_78 = vector.broadcast %get3A_77 : vector<1x1xf32> to vector<2528x1xf32>
    %add3A_79 = arith.addf %dot_general3A_74, %add3A_78 : vector<2528x1xf32>
    %max3A_80 = arith.constant 0.000000e+00 : f32
    %max3A_81 = vector.broadcast %max3A_80 : f32 to vector<2528x1xf32>
    %max3A_82 = arith.maximumf %add3A_79, %max3A_81 : vector<2528x1xf32>
    %abs3A = math.absf %add3A_79 : vector<2528x1xf32>
    %neg3A = arith.constant 0.000000e+00 : f32
    %neg3A_83 = vector.broadcast %neg3A : f32 to vector<2528x1xf32>
    %neg3A_84 = arith.subf %neg3A_83, %abs3A : vector<2528x1xf32>
    %exp3A = math.exp %neg3A_84 : vector<2528x1xf32>
    %add3A_85 = arith.constant 1.000000e+00 : f32
    %add3A_86 = vector.broadcast %add3A_85 : f32 to vector<2528x1xf32>
    %add3A_87 = arith.addf %add3A_86, %exp3A : vector<2528x1xf32>
    %log3A = math.log %add3A_87 : vector<2528x1xf32>
    %add3A_88 = arith.addf %max3A_82, %log3A : vector<2528x1xf32>
    %reshape3A_89 = vector.shape_cast %add3A_88 : vector<2528x1xf32> to vector<32x79x1xf32>
    %reduce_sum3A_90 = arith.constant dense<0.000000e+00> : vector<32x1xf32>
    %reduce_sum3A_91 = vector.multi_reduction <add>, %reshape3A_89, %reduce_sum3A_90 [1] : vector<32x79x1xf32> to vector<32x1xf32>
    %broadcast_in_dim3A_92 = vector.shape_cast %reduce_sum3A_91 : vector<32x1xf32> to vector<32x1x1xf32>
    %add3A_93 = arith.constant 9.99999968E-21 : f32
    %add3A_94 = vector.broadcast %add3A_93 : f32 to vector<32x1x1xf32>
    %add3A_95 = arith.addf %broadcast_in_dim3A_92, %add3A_94 : vector<32x1x1xf32>
    %div3A = vector.broadcast %add3A_95 : vector<32x1x1xf32> to vector<32x79x1xf32>
    %div3A_96 = arith.divf %reshape3A_89, %div3A : vector<32x79x1xf32>
    %swap3A = arith.constant 0 : index
    %swap3A_97 = arith.constant 0 : index
    %swap3A_98 = arith.constant 0 : index
    %swap3A_99 = vector.load %arg12[%swap3A, %swap3A_97, %swap3A_98] : memref<32x79x1xf32, #tpu.memory_space<vmem>>, vector<32x79x1xf32>
    tpu.vector_store %arg12[%swap3A, %swap3A_97, %swap3A_98], %div3A_96 {strides = array<i32>} : memref<32x79x1xf32, #tpu.memory_space<vmem>>, vector<32x79x1xf32>,
    %abs3A_100 = math.absf %reshape3A_89 : vector<32x79x1xf32>
    %reduce_sum3A_101 = vector.shape_cast %abs3A_100 : vector<32x79x1xf32> to vector<1x32x79x1xf32>
    %reduce_sum3A_102 = arith.constant dense<0.000000e+00> : vector<1xf32>
    %reduce_sum3A_103 = vector.multi_reduction <add>, %reduce_sum3A_101, %reduce_sum3A_102 [1, 2, 3] : vector<1x32x79x1xf32> to vector<1xf32>
    %reduce_sum3A_104 = vector.shape_cast %reduce_sum3A_103 : vector<1xf32> to vector<1x1x1x1xf32>
    %reduce_sum3A_105 = vector.extract %reduce_sum3A_104[0, 0, 0, 0] : f32 from vector<1x1x1x1xf32>
    %broadcast_in_dim3A_106 = vector.broadcast %reduce_sum3A_105 : f32 to vector<1x1x128xf32>
    %swap3A_107 = arith.constant 0 : index
    %swap3A_108 = arith.constant 0 : index
    %swap3A_109 = arith.constant 0 : index
    %swap3A_110 = vector.load %arg13[%swap3A_107, %swap3A_108, %swap3A_109] : memref<1x1x128xf32, #tpu.memory_space<vmem>>, vector<1x1x128xf32>
    tpu.vector_store %arg13[%swap3A_107, %swap3A_108, %swap3A_109], %broadcast_in_dim3A_106 {strides = array<i32>} : memref<1x1x128xf32, #tpu.memory_space<vmem>>, vector<1x1x128xf32>,
    return
  }
  func.func @transform_0(%arg0: i32) -> (i32, i32, i32) {
    %c0_i32 = arith.constant 0 : i32
    %c0_i32_0 = arith.constant 0 : i32
    %c0_i32_1 = arith.constant 0 : i32
    return %arg0, %c0_i32, %c0_i32_0 : i32, i32, i32
  }
  func.func @transform_1(%arg0: i32) -> (i32, i32) {
    %c0_i32 = arith.constant 0 : i32
    %c0_i32_0 = arith.constant 0 : i32
    %c0_i32_1 = arith.constant 0 : i32
    return %c0_i32, %c0_i32_0 : i32, i32
  }
  func.func @transform_2(%arg0: i32) -> (i32, i32, i32) {
    %c0_i32 = arith.constant 0 : i32
    %c0_i32_0 = arith.constant 0 : i32
    %c0_i32_1 = arith.constant 0 : i32
    return %arg0, %c0_i32, %c0_i32_0 : i32, i32, i32
  }
  func.func @transform_3(%arg0: i32) -> (i32, i32) {
    %c0_i32 = arith.constant 0 : i32
    %c0_i32_0 = arith.constant 0 : i32
    %c0_i32_1 = arith.constant 0 : i32
    return %c0_i32, %c0_i32_0 : i32, i32
  }
  func.func @transform_4(%arg0: i32) -> (i32, i32) {
    %c0_i32 = arith.constant 0 : i32
    %c0_i32_0 = arith.constant 0 : i32
    %c0_i32_1 = arith.constant 0 : i32
    return %c0_i32, %c0_i32_0 : i32, i32
  }
  func.func @transform_5(%arg0: i32) -> (i32, i32) {
    %c0_i32 = arith.constant 0 : i32
    %c0_i32_0 = arith.constant 0 : i32
    %c0_i32_1 = arith.constant 0 : i32
    return %c0_i32, %c0_i32_0 : i32, i32
  }
  func.func @transform_6(%arg0: i32) -> (i32, i32) {
    %c0_i32 = arith.constant 0 : i32
    %c0_i32_0 = arith.constant 0 : i32
    %c0_i32_1 = arith.constant 0 : i32
    return %c0_i32, %c0_i32_0 : i32, i32
  }
  func.func @transform_7(%arg0: i32) -> (i32, i32) {
    %c0_i32 = arith.constant 0 : i32
    %c0_i32_0 = arith.constant 0 : i32
    %c0_i32_1 = arith.constant 0 : i32
    return %c0_i32, %c0_i32_0 : i32, i32
  }
  func.func @transform_8(%arg0: i32) -> (i32, i32) {
    %c0_i32 = arith.constant 0 : i32
    %c0_i32_0 = arith.constant 0 : i32
    %c0_i32_1 = arith.constant 0 : i32
    return %c0_i32, %c0_i32_0 : i32, i32
  }
  func.func @transform_9(%arg0: i32) -> (i32, i32) {
    %c0_i32 = arith.constant 0 : i32
    %c0_i32_0 = arith.constant 0 : i32
    %c0_i32_1 = arith.constant 0 : i32
    return %c0_i32, %c0_i32_0 : i32, i32
  }
  func.func @transform_10(%arg0: i32) -> (i32, i32) {
    %c0_i32 = arith.constant 0 : i32
    %c0_i32_0 = arith.constant 0 : i32
    %c0_i32_1 = arith.constant 0 : i32
    return %c0_i32, %c0_i32_0 : i32, i32
  }
  func.func @transform_11(%arg0: i32) -> (i32, i32, i32) {
    %c0_i32 = arith.constant 0 : i32
    %c0_i32_0 = arith.constant 0 : i32
    %c0_i32_1 = arith.constant 0 : i32
    return %arg0, %c0_i32, %c0_i32_0 : i32, i32, i32
  }
  func.func @transform_12(%arg0: i32) -> (i32, i32, i32) {
    %c0_i32 = arith.constant 0 : i32
    %c0_i32_0 = arith.constant 0 : i32
    %c0_i32_1 = arith.constant 0 : i32
    return %arg0, %c0_i32, %c0_i32_0 : i32, i32, i32
  }
}

</mosaic_0001>

<sc_bundles>
// kernel: kernel.6.cloned.1.call-start
scs
__scs_entry_jumppad:
0x0: {  	(pc) =	sbr.rel $0x88, $3  }
0x1: {  	(tag) =	ssettag $0x0;
	lr =	simm.s32 $0x1  }
0x2: {  	[smem:$0x3F91] =	sst lr;
	_ =	strace $0xD0000000  }
0x3: {  	_ = 	snop  }
0x4: {  	_ = 	snop  }
0x5: {  	_ = 	snop  }
0x6: {  	_ = 	snop  }
0x7: {  	_ = 	snop  }
__scs_overlays_trampoline_lowered:
0x8: {  	[smem:$0x3FA0] =	sst s0  }
0x9: {  	[smem:$0x3FA1] =	sst s1  }
0xa: {  	[smem:$0x3FA2] =	sst s2  }
0xb: {  	[smem:$0x3FA3] =	sst s3  }
0xc: {  	[smem:$0x3FA4] =	sst s4  }
0xd: {  	[smem:$0x3FA5] =	sst s5  }
0xe: {  	[smem:$0x3FA6] =	sst s6  }
0xf: {  	[smem:$0x3FA7] =	sst s7  }
0x10: {  	[smem:$0x3FA8] =	sst s8  }
0x11: {  	[smem:$0x3FA9] =	sst s9;
	s0 =	simm.s32 @!p0 $0x0  }
0x12: {  	s1 =	sld [smem:$0x3F8F];
	s0 =	simm.s32 @p0 $0x1  }
0x13: {  	[smem:$0x3FAA] =	sst s0;
	s0 =	simm.s32 @!p1 $0x0  }
0x14: {  	s2 =	sld [smem:$0x3F8E];
	s0 =	simm.s32 @p1 $0x1  }
0x15: {  	[smem:$0x3FAB] =	sst s0;
	s0 =	simm.s32 @!p2 $0x0  }
0x16: {  	s3 =	sld [smem:$0x3FDB];
	s0 =	simm.s32 @p2 $0x1  }
0x17: {  	s4 =	simm.s32 $0x1BF5;
	[smem:$0x3FAD] =	sst s0  }
0x18: {  	s0 =	sld [smem:$0x3F90];
	_ =	swait.ge [sflag:s4], $0x0  }
0x19: {  	s7 =	sld [smem:$0x3F91]  }
0x1a: {  	s8 =	sadd.s32 $0xFFFFE003, lr  }
0x1b: {  	s9 =	sadd.s32 $0xFFFFFEF7, lr;
	s5 =	simm.s32 $0xFFFFFFFF;
	p2 =	slt.u32 s8, $0xFFFFF086  }
0x1c: {  	p1 =	slt.u32 s9, $0xF7A;
	s5 =	simm.s32 @!p2 $0x0  }
0x1d: {  	s5 =	simm.s32 @p1 $0x1;
	p0 =	seq.s32 s7, s2  }
0x1e: {  	s7 =	smul.u32 @!p0 $0xF7A, s2;
	p2 =	seq.s32 @!p0 s5, $0x0  }
0x1f: {  	s9 =	smul.u32 $0xF7A, s1;
	s8 =	simm.s32 @!p0 $0x1BF5;
	p2 =	por !p2, p0  }
0x20: {  	[sflag:s8] =	ssyncset.s32 @!p0 $0xFFFFF086;
	s6 =	sadd.s32 @!p0 s3, s7;
	s7 =	simm.s32 @!p0 $0x108  }
0x21: {  	s3 =	sadd.s32 s3, s9;
	s6 =	sadd.s32 @!p0 $0x88, s6;
	s7 =	simm.s32 @p2 $0x1082  }
0x22: {  	[simem:s7], [sflag:s8] =	dma.local @!p0 [hbm:s6], $0xF7A  }
0x23: {  	s9 =	sor.u32 $0xD0000000, s2;
	s6 =	simm.s32 $0x108;
	_ =	swait.ge @!p0 [sflag:s8], $0x0  }
0x24: {  	s3 =	sadd.s32 $0x88, s3;
	s6 =	simm.s32 @!p1 $0x1082;
	[sflag:s4] =	ssyncset.s32 $0xFFFFF086  }
0x25: {  	[simem:s6], [sflag:s4] =	dma.local [hbm:s3], $0xF7A  }
0x26: {  	[smem:$0x3F91] =	sst s1;
	(tag) =	ssettag s2;
	_ =	strace s9  }
0x27: {  	s1 =	sld [smem:$0x3FA1]  }
0x28: {  	s2 =	sld [smem:$0x3FA2]  }
0x29: {  	s4 =	sld [smem:$0x3FA4]  }
0x2a: {  	p0 =	seq.s32 s5, $0x0;
	s5 =	sld [smem:$0x3FA5]  }
0x2b: {  	s6 =	sld [smem:$0x3FA6]  }
0x2c: {  	s7 =	sld [smem:$0x3FA7]  }
0x2d: {  	s3 =	simm.s32 $0x108;
	s8 =	sld [smem:$0x3FA8]  }
0x2e: {  	s3 =	simm.s32 @!p0 $0x1082;
	s9 =	sld [smem:$0x3FA9]  }
0x2f: {  	lr =	sadd.s32 s0, s3;
	s0 =	sld [smem:$0x3FA0]  }
0x30: {  	s3 =	sld [smem:$0x3FA3]  }
0x31: {  	[smem:$0x3FAC] =	sst s10  }
0x32: {  	s10 =	sld [smem:$0x3FAA];
	_ =	sdelay $0x3  }
0x33: {  	p0 =	seq.s32 s10, $0x1;
	s10 =	sld [smem:$0x3FAC];
	_ =	sdelay $0x3  }
0x34: {  	[smem:$0x3FAC] =	sst s10  }
0x35: {  	s10 =	sld [smem:$0x3FAB];
	_ =	sdelay $0x3  }
0x36: {  	p1 =	seq.s32 s10, $0x1;
	s10 =	sld [smem:$0x3FAC];
	_ =	sdelay $0x3  }
0x37: {  	[smem:$0x3FAC] =	sst s10  }
0x38: {  	s10 =	sld [smem:$0x3FAD]  }
0x39: {  	_ = 	snop;
	(pc) =	sbr.ind lr, $3  }
0x3a: {  	_ = 	snop  }
0x3b: {  	_ = 	snop  }
0x3c: {  	p2 =	seq.s32 s10, $0x1;
	s10 =	sld [smem:$0x3FAC]  }
0x3d: {  	_ =	shalt  }
0x3e: {  	_ =	shalt  }
0x3f: {  	_ =	shalt  }
0x40: {  	_ =	shalt  }
0x41: {  	_ =	shalt  }
0x42: {  	_ =	shalt  }
0x43: {  	_ =	shalt  }
0x44: {  	_ =	shalt  }
0x45: {  	_ =	shalt  }
0x46: {  	_ =	shalt  }
0x47: {  	_ =	shalt  }
0x48: {  	_ =	shalt  }
0x49: {  	_ =	shalt  }
0x4a: {  	_ =	shalt  }
0x4b: {  	_ =	shalt  }
0x4c: {  	_ =	shalt  }
0x4d: {  	_ =	shalt  }
0x4e: {  	_ =	shalt  }
0x4f: {  	_ =	shalt  }
0x50: {  	_ =	shalt  }
0x51: {  	_ =	shalt  }
0x52: {  	_ =	shalt  }
0x53: {  	_ =	shalt  }
0x54: {  	_ =	shalt  }
0x55: {  	_ =	shalt  }
0x56: {  	_ =	shalt  }
0x57: {  	_ =	shalt  }
0x58: {  	_ =	shalt  }
0x59: {  	_ =	shalt  }
0x5a: {  	_ =	shalt  }
0x5b: {  	_ =	shalt  }
0x5c: {  	_ =	shalt  }
0x5d: {  	_ =	shalt  }
0x5e: {  	_ =	shalt  }
0x5f: {  	_ =	shalt  }
0x60: {  	_ =	shalt  }
0x61: {  	_ =	shalt  }
0x62: {  	_ =	shalt  }
0x63: {  	_ =	shalt  }
0x64: {  	_ =	shalt  }
0x65: {  	_ =	shalt  }
0x66: {  	_ =	shalt  }
0x67: {  	_ =	shalt  }
0x68: {  	_ =	shalt  }
0x69: {  	_ =	shalt  }
0x6a: {  	_ =	shalt  }
0x6b: {  	_ =	shalt  }
0x6c: {  	_ =	shalt  }
0x6d: {  	_ =	shalt  }
0x6e: {  	_ =	shalt  }
0x6f: {  	_ =	shalt  }
0x70: {  	_ =	shalt  }
0x71: {  	_ =	shalt  }
0x72: {  	_ =	shalt  }
0x73: {  	_ =	shalt  }
0x74: {  	_ =	shalt  }
0x75: {  	_ =	shalt  }
0x76: {  	_ =	shalt  }
0x77: {  	_ =	shalt  }
0x78: {  	_ =	shalt  }
0x79: {  	_ =	shalt  }
0x7a: {  	_ =	shalt  }
0x7b: {  	_ =	shalt  }
0x7c: {  	_ =	shalt  }
0x7d: {  	_ =	shalt  }
0x7e: {  	_ =	shalt  }
0x7f: {  	_ =	shalt  }
0x80: {  	_ =	shalt  }
0x81: {  	_ =	shalt  }
0x82: {  	_ =	shalt  }
0x83: {  	_ =	shalt  }
0x84: {  	_ =	shalt  }
0x85: {  	_ =	shalt  }
0x86: {  	_ =	shalt  }
0x87: {  	_ =	shalt  }
.Lfunc_end0:
.L_simem_size_0:
called_computation_lowered:
.L_overlay_start_0:
0x88: {  	s2 =	sld [smem:$0x3FD9]  }
0x89: {  	s3 =	sld [smem:$0x3FFE];
	_ =	sdelay $0x1  }
0x8a: {  	s1 =	srdreg.scid  }
0x8b: {  	s0 =	sand.u32 $0x1, s1  }
0x8c: {  	s14 =	sshll.u32 s0, $0xA;
	s2 =	sadd.s32 s3, s2  }
0x8d: {  	s2 =	sadd.s32 s2, s14  }
0x8e: {  	[smem:$0x3FB8] =	sst s2  }
0x8f: {  	_ = 	snop  }
0x90: {  	s2 =	sld [smem:$0x3FD0];
	_ =	sdelay $0x1  }
0x91: {  	s15 =	sld [smem:$0x3FC5]  }
0x92: {  	s5 =	simm.s32 $0xA;
	s6 =	simm.s32 $0x10;
	s4 =	sld [smem:$0x3FC4]  }
0x93: {  	[smem:s6], [sflag:s5] =	dma.local [hbm:s2], $0x1  }
0x94: {  	_ =	swait.eq [sflag:s5], $0x1  }
0x95: {  	[sflag:s5] =	ssyncset.done $0x0  }
0x96: {  	[sflag:s5] =	ssyncadd.s32 $0xFFFFFFFF  }
0x97: {  	s16 =	sld [smem:$0x10];
	(tm) =	ssettm $0x1  }
0x98: {  	s17 =	sld [smem:$0x3FFB];
	_ =	sdelay $0x3  }
0x99: {  	_ =	strace s17  }
0x9a: {  	s5 =	sld [smem:$0x3FFC];
	_ =	sdelay $0x3  }
0x9b: {  	_ =	strace s5  }
0x9c: {  	s5 =	sld [smem:$0x3FFD];
	_ =	sdelay $0x3  }
0x9d: {  	_ =	strace s5  }
0x9e: {  	_ =	strace $0x8FFFFFFF  }
0x9f: {  	s18 =	sld [smem:$0x3FDB];
	_ =	sdelay $0x1  }
0xa0: {  	s19 =	simm.s32 $_scs_section_size  }
0xa1: {  	s7 =	simm.s32 $_size__tile_overlayer_lowered;
	s8 =	simm.s32 $_tile_overlayer_lowered  }
0xa2: {  	s22 =	simm.s32 $0x1BFF;
	s21 =	sshll.u32 s8, $0x1;
	s5 =	sadd.s32 s19, s18  }
0xa3: {  	s9 =	simm.s32 $0x0;
	s20 =	sshll.u32 s7, $0x1;
	s7 =	sadd.s32 s21, s5  }
0xa4: {  	[timem:s9], [sflag:s22] =	dma.local [hbm:s7], s20  }
0xa5: {  	_ =	swait.ge [sflag:s22], s20  }
0xa6: {  	s6 =	ssub.s32 $0x0, s20;
	[sflag:s22] =	ssyncset.done $0x0  }
0xa7: {  	[sflag:s22] =	ssyncadd.s32 s6;
	_ =	sdelay $0x1  }
0xa8: {  	s23 =	simm.s32 $0x1B8B  }
0xa9: {  	_ =	swait.ge [sflag:s23], $0x1  }
0xaa: {  	[sflag:s23] =	ssyncset.done $0x0  }
0xab: {  	s25 =	simm.s32 $0x1B8E;
	s24 =	sld [smem:$0x3FFE];
	[sflag:s23] =	ssyncadd.s32 $0xFFFFFFFF  }
0xac: {  	s26 =	simm.s32 $execute0_lowered;
	[smem:$0x3FD2] =	sst s25  }
0xad: {  	s7 =	sshll.u32 s26, $0x1;
	_ =	strace $0x80000046;
	[dreg:$0x1] =	wrdreg $0xFFFFFFFF  }
0xae: {  	s28 =	simm.s32 $_size_execute0_lowered;
	s5 =	sadd.s32 s5, s7;
	[dreg:$0x0] =	wrdreg $0x0  }
0xaf: {  	s7 =	sshll.u32 s28, $0x1;
	[dreg:$0x2] =	wrdreg s5  }
0xb0: {  	[dreg:$0x3] =	wrdreg s7  }
0xb1: {  	[dreg:$0x4] =	wrdreg $0xC0  }
0xb2: {  	_ =	task [dreg:s9], $0x5FFFF  }
0xb3: {  	[dreg:$0x1] =	wrdreg $0xFFFFFFFF  }
0xb4: {  	[dreg:$0x0] =	wrdreg $0x60  }
0xb5: {  	[dreg:$0x2] =	wrdreg s16  }
0xb6: {  	[dreg:$0x3] =	wrdreg s24  }
0xb7: {  	[dreg:$0x4] =	wrdreg s15  }
0xb8: {  	[dreg:$0x5] =	wrdreg s4  }
0xb9: {  	[dreg:$0x6] =	wrdreg $0x9  }
0xba: {  	_ =	task.clear_ibuf [dreg:s9], $0x7FFFF;
	_ =	strace $0x90000046  }
0xbb: {  	s29 =	simm.s32 $0x9;
	_ =	strace $0x80000048  }
0xbc: {  	_ =	swait.ge [sflag:s29], $0x1  }
0xbd: {  	[sflag:s29] =	ssyncadd.s32 $0xFFFFFFFF  }
0xbe: {  	_ =	strace $0x90000048  }
0xbf: {  	_ =	sfence  }
0xc0: {  	s30 =	sld [smem:$0x0];
	_ =	sdelay $0x2  }
0xc1: {  	s31 =	sshll.u32 s1, $0xD;
	s1 =	sshrl.u32 s1, $0x2  }
0xc2: {  	s3 =	sand.u32 $0x4000, s31;
	s1 =	sadd.s32 s1, s30  }
0xc3: {  	s0 =	sor.u32 s3, s0;
	s1 =	sshll.u32 s1, $0x11  }
0xc4: {  	s0 =	sor.u32 s1, s0  }
0xc5: {  	s0 =	sadd.s32 $0x8F2B, s0  }
0xc6: {  	[sflag:s0] =	ssyncadd.remote.s32 $0x1  }
0xc7: {  	_ =	sfence.sel $0xFFFF  }
0xc8: {  	[dreg:$0x0] =	wrdreg $0xFFFFFFFF;
	(pc) =	sbr.abs _section_cstart, $3  }
0xc9: {  	[dreg:$0x1] =	wrdreg $0xFFFFFFFF  }
0xca: {  	_ =	task.clear_ibuf [dreg:s9], $0x2FFFF;
	_ =	strace $0x9FFFFFFF  }
0xcb: {  	(tm) =	ssettm $0x7FFFFFFF  }
tec
execute0_lowered:
.L_overlay_start_1:
0x0: {  	(tag) =	ssettag $0x1  }
0x1: {  	s0 =	rddreg [dreg:$0x0]  }
0x2: {  	s7 =	rddreg [dreg:$0x1]  }
0x3: {  	s1 =	srdreg.scid;
	s3 =	rddreg [dreg:$0x2]  }
0x4: {  	s4 =	rddreg [dreg:$0x3];
	s2 =	stileid.u32;
	s5 =	simm.s32 $0x0  }
0x5: {  	s13 =	simm.s32 $0x1800;
	s6 =	sand.u32 $0x1, s1;
	s1 =	rddreg [dreg:$0x4]  }
0x6: {  	s14 =	simm.s32 $0x0;
	[smem:$0x7FF] =	sst s5;
	s8 =	sshll.u32 s6, $0x4  }
0x7: {  	s10 =	ssub.s32 $0x2, s6;
	_ =	strace $0x80000047;
	s8 =	sor.u32 s2, s8  }
0x8: {  	s6 =	sadd.s32 $0x1A00, s7;
	s11 =	sshrl.u32 s10, $0x1;
	s9 =	smul.u32 $0xC80, s8  }
0x9: {  	s31 =	ssub.s32 s10, s11;
	s12 =	smul.u32 $0xFFFFFF38, s8;
	s10 =	simm.s32 $0x1  }
0xa: {  	v0 =	vimm.f32 $0.0e+00;
	vm0 =	vcmask $0x300;
	s11 =	simm.s32 $0x8000;
	s8 =	smax.u32 s31, $0x1;
	s7 =	sadd.s32 s9, s7  }
0xb: {  	v2 =	vsel vm0, $0x3F800000, v0;
	s9 =	simm.s32 $0xC00;
	v1 =	vmov s12;
	s12 =	simm.s32 $0x8080;
	s7 =	sadd.s32 $0x1C00, s7  }
.LBB2_1:
0xc: {  	[tilespmem:s9], [sflag:$0x1] =	stream.linear.gather [hbm4b:s0+s5], $0xC00, $0x38;
	[tilespmem:$0x8100] =	vst v63  }
0xd: {  	_ =	swait.ge [sflag:s10], $0xC00  }
0xe: {  	[sflag:s10] =	ssyncset.done $0x0  }
0xf: {  	[sflag:s10] =	ssyncadd.s32 $0xFFFFF400  }
0x10: {  	[tilespmem:s5], [sflag:$0x1] =	stream.linear.gather [hbm4b:s6+s5], $0xC00, $0x38;
	[tilespmem:$0x8100] =	vst v63  }
0x11: {  	_ =	swait.ge [sflag:s10], $0xC00  }
0x12: {  	[sflag:s10] =	ssyncset.done $0x0  }
0x13: {  	[sflag:s10] =	ssyncadd.s32 $0xFFFFF400  }
0x14: {  	[tilespmem:s11], [sflag:$0x1] =	stream.linear.gather [hbm4b:s3+s5], $0x80, $0x38;
	[tilespmem:$0x8100] =	vst v63  }
0x15: {  	_ =	swait.ge [sflag:s10], $0x80  }
0x16: {  	[sflag:s10] =	ssyncset.done $0x0  }
0x17: {  	[sflag:s10] =	ssyncadd.s32 $0xFFFFFF80  }
0x18: {  	[tilespmem:s12], [sflag:$0x1] =	stream.linear.gather [hbm4b:s4+s5], $0x80, $0x38;
	[tilespmem:$0x8100] =	vst v63  }
0x19: {  	_ =	swait.ge [sflag:s10], $0x80  }
0x1a: {  	[sflag:s10] =	ssyncset.done $0x0  }
0x1b: {  	[sflag:s10] =	ssyncadd.s32 $0xFFFFFF80  }
0x1c: {  	v3 =	vld [tilespmem:$0x8080];
	_ =	sdelay $0x1  }
0x1d: {  	s15 =	simm.s32 $0x0;
	v4 =	vld [tilespmem:$0x8000]  }
.LBB2_2:
0x1e: {  	p0 =	sne.s32 s15, $0x19E00  }
.Ltmp0:
0x1f: {  	_ = 	snop;
	(pc) =	sbr.rel @p0 .LBB2_2-.Ltmp0, $4  }
0x20: {  	_ = 	snop  }
0x21: {  	s16 =	sshra.s32 s15, $0x2  }
0x22: {  	[tilespmem:s16+$0x1800] =	vst v0  }
0x23: {  	s15 =	sadd.s32 $0x200, s15;
	[tilespmem:s16+$0x1810] =	vst v0  }
0x24: {  	s15 =	simm.s32 $0x0  }
0x25: {  	v5 =	vld [tilespmem:s15+$0x0];
	_ =	sdelay $0x4  }
0x26: {  	v5 =	vadd.s32 v1, v5  }
0x27: {  	v5 =	vmin.u32 v5, $0xC8  }
0x28: {  	v13 =	vshll.u32 v5, $0x7  }
0x29: {  	(v2sf) =	vpush v13, $0x0;
	_ =	sdelay $0x1  }
0x2a: {  	(v2sf) =	vpush v13, $0x1;
	_ =	sdelay $0x1  }
0x2b: {  	v9 =	vld [tilespmem:s15+$0xC00];
	(v2sf) =	vpush v13, $0x2;
	_ =	sdelay $0x1  }
0x2c: {  	(v2sf) =	vpush v13, $0x3;
	_ =	sdelay $0x1  }
0x2d: {  	(v2sf) =	vpush v13, $0x4  }
0x2e: {  	v6 =	vbroadcast v9, $0x1;
	v5 =	vbroadcast v9, $0x0  }
0x2f: {  	v7 =	vbroadcast v9, $0x2;
	v8 =	vbroadcast v9, $0x3;
	(v2sf) =	vpush v13, $0x5  }
0x30: {  	v10 =	vbroadcast v9, $0x5;
	v5 =	vmul.f32 v5, v4;
	(v2sf) =	vpush v13, $0xB  }
0x31: {  	v11 =	vbroadcast v9, $0x6;
	v12 =	vbroadcast v9, $0x7;
	(v2sf) =	vpush v13, $0x6  }
0x32: {  	v14 =	vbroadcast v9, $0x8;
	v6 =	vmul.f32 v6, v4;
	v5 =	vadd.f32 v5, v3  }
0x33: {  	v7 =	vmul.f32 v7, v4;
	v10 =	vmul.f32 v10, v4;
	(v2sf) =	vpush v13, $0x7  }
0x34: {  	v8 =	vmul.f32 v8, v4;
	v6 =	vadd.f32 v6, v3;
	v5 =	vmax.f32 v5, $0.0e+00;
	s24 =	spop (v2sf)  }
0x35: {  	v11 =	vmul.f32 v11, v4;
	v7 =	vadd.f32 v7, v3;
	v10 =	vadd.f32 v10, v3;
	[tilespmem:s24+$0x1800] =	vst.add.f32.msk $0xffff, v5  }
0x36: {  	v6 =	vmax.f32 v6, $0.0e+00;
	(v2sf) =	vpush v13, $0x8;
	v5 =	vbroadcast v9, $0x4;
	[tilespmem:s24+$0x1810] =	vst.add.f32.msk $0xffff, v2;
	s25 =	spop (v2sf)  }
0x37: {  	v15 =	vbroadcast v9, $0xD;
	v11 =	vadd.f32 v11, v3;
	(v2sf) =	vpush v13, $0x9;
	[tilespmem:s25+$0x1800] =	vst.add.f32.msk $0xffff, v6  }
0x38: {  	[tilespmem:s25+$0x1810] =	vst.add.f32.msk $0xffff, v2;
	v6 =	vmax.f32 v7, $0.0e+00;
	v7 =	vadd.f32 v8, v3;
	s26 =	spop (v2sf);
	v5 =	vmul.f32 v5, v4  }
0x39: {  	v8 =	vmul.f32 v12, v4;
	v12 =	vbroadcast v9, $0x9;
	(v2sf) =	vpush v13, $0xA;
	[tilespmem:s26+$0x1800] =	vst.add.f32.msk $0xffff, v6  }
0x3a: {  	v6 =	vmul.f32 v14, v4;
	[tilespmem:s26+$0x1810] =	vst.add.f32.msk $0xffff, v2;
	s28 =	spop (v2sf);
	v7 =	vmax.f32 v7, $0.0e+00;
	v5 =	vadd.f32 v5, v3  }
0x3b: {  	v14 =	vadd.f32 v8, v3;
	v8 =	vbroadcast v9, $0xA;
	[tilespmem:s28+$0x1800] =	vst.add.f32.msk $0xffff, v7;
	v7 =	vmul.f32 v12, v4  }
0x3c: {  	(v2sf) =	vpush v13, $0xC;
	[tilespmem:s28+$0x1810] =	vst.add.f32.msk $0xffff, v2;
	s29 =	spop (v2sf);
	v12 =	vbroadcast v9, $0xB;
	v5 =	vmax.f32 v5, $0.0e+00  }
0x3d: {  	(v2sf) =	vpush v13, $0xD;
	[tilespmem:s29+$0x1800] =	vst.add.f32.msk $0xffff, v5;
	v5 =	vadd.f32 v7, v3;
	v7 =	vmul.f32 v8, v4  }
0x3e: {  	s30 =	spop (v2sf);
	[tilespmem:s29+$0x1810] =	vst.add.f32.msk $0xffff, v2;
	v8 =	vmax.f32 v10, $0.0e+00;
	v10 =	vmul.f32 v12, v4;
	v12 =	vbroadcast v9, $0xC  }
0x3f: {  	v11 =	vmax.f32 v11, $0.0e+00;
	v6 =	vadd.f32 v6, v3;
	(v2sf) =	vpush v13, $0xE;
	s16 =	spop (v2sf);
	[tilespmem:s30+$0x1800] =	vst.add.f32.msk $0xffff, v8  }
0x40: {  	v14 =	vmax.f32 v14, $0.0e+00;
	s31 =	spop (v2sf);
	[tilespmem:s30+$0x1810] =	vst.add.f32.msk $0xffff, v2;
	v8 =	vadd.f32 v10, v3;
	v10 =	vmul.f32 v12, v4  }
0x41: {  	(v2sf) =	vpush v13, $0xF;
	[tilespmem:s31+$0x1800] =	vst.add.f32.msk $0xffff, v11;
	v11 =	vmul.f32 v15, v4;
	v12 =	vbroadcast v9, $0xE  }
0x42: {  	v6 =	vmax.f32 v6, $0.0e+00;
	s17 =	spop (v2sf);
	v7 =	vadd.f32 v7, v3;
	[tilespmem:s31+$0x1810] =	vst.add.f32.msk $0xffff, v2;
	v9 =	vbroadcast v9, $0xF  }
0x43: {  	s15 =	simm.s32 $0x40;
	[tilespmem:s17+$0x1800] =	vst.add.f32.msk $0xffff, v14;
	v10 =	vadd.f32 v10, v3;
	v11 =	vadd.f32 v11, v3;
	v12 =	vmul.f32 v12, v4  }
.LBB2_4:
0x44: {  	p0 =	sne.s32 s15, $0x2EC0  }
0x45: {  	[tilespmem:s17+$0x1810] =	vst.add.f32.msk $0xffff, v2;
	s17 =	spop (v2sf);
	s18 =	smov.u32 s15;
	s15 =	sadd.s32 $0x40, s15  }
0x46: {  	[tilespmem:s17+$0x1800] =	vst.add.f32.msk $0xffff, v6;
	v6 =	vadd.f32 v12, v3  }
0x47: {  	v5 =	vmax.f32 v5, $0.0e+00;
	[tilespmem:s17+$0x1810] =	vst.add.f32.msk $0xffff, v2;
	s17 =	spop (v2sf)  }
0x48: {  	[tilespmem:s17+$0x1800] =	vst.add.f32.msk $0xffff, v5  }
0x49: {  	v5 =	vmax.f32 v7, $0.0e+00;
	[tilespmem:s17+$0x1810] =	vst.add.f32.msk $0xffff, v2;
	s17 =	spop (v2sf)  }
0x4a: {  	[tilespmem:s17+$0x1800] =	vst.add.f32.msk $0xffff, v5  }
0x4b: {  	v5 =	vmax.f32 v8, $0.0e+00;
	[tilespmem:s17+$0x1810] =	vst.add.f32.msk $0xffff, v2  }
0x4c: {  	[tilespmem:s16+$0x1800] =	vst.add.f32.msk $0xffff, v5;
	s17 =	spop (v2sf)  }
0x4d: {  	v5 =	vmax.f32 v10, $0.0e+00;
	[tilespmem:s16+$0x1810] =	vst.add.f32.msk $0xffff, v2  }
0x4e: {  	[tilespmem:s17+$0x1800] =	vst.add.f32.msk $0xffff, v5  }
0x4f: {  	v7 =	vmul.f32 v9, v4;
	v5 =	vmax.f32 v11, $0.0e+00;
	[tilespmem:s17+$0x1810] =	vst.add.f32.msk $0xffff, v2;
	s16 =	spop (v2sf)  }
0x50: {  	[tilespmem:s16+$0x1800] =	vst.add.f32.msk $0xffff, v5  }
0x51: {  	v5 =	vmax.f32 v6, $0.0e+00;
	v6 =	vadd.f32 v7, v3;
	[tilespmem:s16+$0x1810] =	vst.add.f32.msk $0xffff, v2;
	s16 =	spop (v2sf)  }
0x52: {  	[tilespmem:s16+$0x1800] =	vst.add.f32.msk $0xffff, v5  }
0x53: {  	v5 =	vmax.f32 v6, $0.0e+00;
	[tilespmem:s16+$0x1810] =	vst.add.f32.msk $0xffff, v2;
	s16 =	spop (v2sf)  }
0x54: {  	[tilespmem:s16+$0x1800] =	vst.add.f32.msk $0xffff, v5  }
0x55: {  	s17 =	sshra.s32 s18, $0x2;
	[tilespmem:s16+$0x1810] =	vst.add.f32.msk $0xffff, v2  }
0x56: {  	v5 =	vld [tilespmem:s17+$0x0];
	_ =	sdelay $0x4  }
0x57: {  	v5 =	vadd.s32 v1, v5  }
0x58: {  	v5 =	vmin.u32 v5, $0xC8  }
0x59: {  	v13 =	vshll.u32 v5, $0x7  }
0x5a: {  	(v2sf) =	vpush v13, $0x0;
	_ =	sdelay $0x1  }
0x5b: {  	(v2sf) =	vpush v13, $0x1;
	_ =	sdelay $0x1  }
0x5c: {  	v9 =	vld [tilespmem:s17+$0xC00];
	(v2sf) =	vpush v13, $0x2;
	_ =	sdelay $0x1  }
0x5d: {  	(v2sf) =	vpush v13, $0x3;
	_ =	sdelay $0x1  }
0x5e: {  	(v2sf) =	vpush v13, $0x4  }
0x5f: {  	v5 =	vbroadcast v9, $0x0;
	v6 =	vbroadcast v9, $0x1  }
0x60: {  	v7 =	vbroadcast v9, $0x2;
	v8 =	vbroadcast v9, $0x3;
	(v2sf) =	vpush v13, $0x5  }
0x61: {  	v10 =	vbroadcast v9, $0x5;
	v5 =	vmul.f32 v5, v4;
	(v2sf) =	vpush v13, $0xB  }
0x62: {  	v6 =	vmul.f32 v6, v4;
	v7 =	vmul.f32 v7, v4;
	(v2sf) =	vpush v13, $0x6  }
0x63: {  	v8 =	vmul.f32 v8, v4;
	v10 =	vmul.f32 v10, v4;
	v5 =	vadd.f32 v5, v3  }
0x64: {  	v11 =	vbroadcast v9, $0x6;
	v7 =	vadd.f32 v7, v3;
	(v2sf) =	vpush v13, $0x7  }
0x65: {  	v6 =	vadd.f32 v6, v3;
	v10 =	vadd.f32 v10, v3;
	v5 =	vmax.f32 v5, $0.0e+00;
	s16 =	spop (v2sf)  }
0x66: {  	v11 =	vmul.f32 v11, v4;
	[tilespmem:s16+$0x1800] =	vst.add.f32.msk $0xffff, v5;
	v5 =	vbroadcast v9, $0x4;
	(v2sf) =	vpush v13, $0x8  }
0x67: {  	v12 =	vbroadcast v9, $0x7;
	v14 =	vbroadcast v9, $0x8;
	v6 =	vmax.f32 v6, $0.0e+00;
	[tilespmem:s16+$0x1810] =	vst.add.f32.msk $0xffff, v2;
	s16 =	spop (v2sf)  }
0x68: {  	v11 =	vadd.f32 v11, v3;
	[tilespmem:s16+$0x1800] =	vst.add.f32.msk $0xffff, v6;
	v5 =	vmul.f32 v5, v4;
	(v2sf) =	vpush v13, $0x9  }
0x69: {  	v6 =	vmax.f32 v7, $0.0e+00;
	v7 =	vadd.f32 v8, v3;
	v8 =	vmul.f32 v12, v4;
	[tilespmem:s16+$0x1810] =	vst.add.f32.msk $0xffff, v2;
	s16 =	spop (v2sf)  }
0x6a: {  	v12 =	vbroadcast v9, $0x9;
	[tilespmem:s16+$0x1800] =	vst.add.f32.msk $0xffff, v6;
	v6 =	vmul.f32 v14, v4;
	(v2sf) =	vpush v13, $0xA  }
0x6b: {  	v7 =	vmax.f32 v7, $0.0e+00;
	v5 =	vadd.f32 v5, v3;
	v14 =	vadd.f32 v8, v3;
	[tilespmem:s16+$0x1810] =	vst.add.f32.msk $0xffff, v2;
	s16 =	spop (v2sf)  }
0x6c: {  	v8 =	vbroadcast v9, $0xA;
	[tilespmem:s16+$0x1800] =	vst.add.f32.msk $0xffff, v7;
	v6 =	vadd.f32 v6, v3;
	v7 =	vmul.f32 v12, v4  }
0x6d: {  	v5 =	vmax.f32 v5, $0.0e+00;
	v12 =	vbroadcast v9, $0xB;
	[tilespmem:s16+$0x1810] =	vst.add.f32.msk $0xffff, v2;
	s16 =	spop (v2sf);
	(v2sf) =	vpush v13, $0xC  }
0x6e: {  	[tilespmem:s16+$0x1800] =	vst.add.f32.msk $0xffff, v5;
	v6 =	vmax.f32 v6, $0.0e+00;
	v5 =	vadd.f32 v7, v3;
	v7 =	vmul.f32 v8, v4  }
0x6f: {  	v8 =	vmax.f32 v10, $0.0e+00;
	v10 =	vmul.f32 v12, v4;
	v12 =	vbroadcast v9, $0xC;
	[tilespmem:s16+$0x1810] =	vst.add.f32.msk $0xffff, v2;
	s17 =	spop (v2sf)  }
.Ltmp1:
0x70: {  	v15 =	vbroadcast v9, $0xD;
	[tilespmem:s17+$0x1800] =	vst.add.f32.msk $0xffff, v8;
	v7 =	vadd.f32 v7, v3;
	s16 =	spop (v2sf);
	(v2sf) =	vpush v13, $0xD;
	(pc) =	sbr.rel @p0 .LBB2_4-.Ltmp1, $4  }
0x71: {  	v11 =	vmax.f32 v11, $0.0e+00;
	v8 =	vadd.f32 v10, v3;
	v10 =	vmul.f32 v12, v4;
	[tilespmem:s17+$0x1810] =	vst.add.f32.msk $0xffff, v2;
	s17 =	spop (v2sf)  }
0x72: {  	v12 =	vbroadcast v9, $0xE;
	[tilespmem:s17+$0x1800] =	vst.add.f32.msk $0xffff, v11;
	v11 =	vmul.f32 v15, v4;
	(v2sf) =	vpush v13, $0xE  }
0x73: {  	v14 =	vmax.f32 v14, $0.0e+00;
	v9 =	vbroadcast v9, $0xF;
	v10 =	vadd.f32 v10, v3;
	[tilespmem:s17+$0x1810] =	vst.add.f32.msk $0xffff, v2;
	s17 =	spop (v2sf)  }
0x74: {  	v12 =	vmul.f32 v12, v4;
	[tilespmem:s17+$0x1800] =	vst.add.f32.msk $0xffff, v14;
	v11 =	vadd.f32 v11, v3;
	(v2sf) =	vpush v13, $0xF  }
0x75: {  	[tilespmem:s17+$0x1810] =	vst.add.f32.msk $0xffff, v2;
	s15 =	spop (v2sf)  }
0x76: {  	[tilespmem:s15+$0x1800] =	vst.add.f32.msk $0xffff, v6  }
0x77: {  	v5 =	vmax.f32 v5, $0.0e+00;
	[tilespmem:s15+$0x1810] =	vst.add.f32.msk $0xffff, v2;
	s25 =	spop (v2sf)  }
0x78: {  	[tilespmem:s25+$0x1800] =	vst.add.f32.msk $0xffff, v5  }
0x79: {  	v59 =	vmax.f32 v7, $0.0e+00;
	[tilespmem:s25+$0x1810] =	vst.add.f32.msk $0xffff, v2;
	s26 =	spop (v2sf)  }
0x7a: {  	[tilespmem:s26+$0x1800] =	vst.add.f32.msk $0xffff, v59  }
0x7b: {  	v60 =	vmax.f32 v8, $0.0e+00;
	[tilespmem:s26+$0x1810] =	vst.add.f32.msk $0xffff, v2  }
0x7c: {  	[tilespmem:s16+$0x1800] =	vst.add.f32.msk $0xffff, v60  }
0x7d: {  	v61 =	vmax.f32 v10, $0.0e+00;
	[tilespmem:s16+$0x1810] =	vst.add.f32.msk $0xffff, v2;
	s28 =	spop (v2sf)  }
0x7e: {  	[tilespmem:s28+$0x1800] =	vst.add.f32.msk $0xffff, v61  }
0x7f: {  	v4 =	vmul.f32 v9, v4;
	v62 =	vadd.f32 v12, v3;
	v63 =	vmax.f32 v11, $0.0e+00;
	[tilespmem:s28+$0x1810] =	vst.add.f32.msk $0xffff, v2;
	s29 =	spop (v2sf)  }
0x80: {  	[tilespmem:s29+$0x1800] =	vst.add.f32.msk $0xffff, v63  }
0x81: {  	v3 =	vadd.f32 v4, v3;
	v5 =	vmax.f32 v62, $0.0e+00;
	[tilespmem:s29+$0x1810] =	vst.add.f32.msk $0xffff, v2;
	s30 =	spop (v2sf)  }
0x82: {  	[tilespmem:s30+$0x1800] =	vst.add.f32.msk $0xffff, v5  }
0x83: {  	s14 =	sadd.s32 $0x1, s14;
	v3 =	vmax.f32 v3, $0.0e+00;
	[tilespmem:s30+$0x1810] =	vst.add.f32.msk $0xffff, v2;
	s31 =	spop (v2sf)  }
0x84: {  	p0 =	sne.s32 s14, s8;
	[tilespmem:s31+$0x1800] =	vst.add.f32.msk $0xffff, v3  }
.Ltmp2:
0x85: {  	[tilespmem:s31+$0x1810] =	vst.add.f32.msk $0xffff, v2;
	(pc) =	sbr.rel @p0 .LBB2_1-.Ltmp2, $4  }
0x86: {  	[hbm4b:s7+s5] =	stream.linear.scatter [tilespmem:s13], [sflag:$0x1], $0x6400, $0x38;
	[tilespmem:$0x8100] =	vst v63  }
0x87: {  	_ =	swait.ge [sflag:s10], $0x6400  }
0x88: {  	[sflag:s10] =	ssyncset.done $0x0  }
0x89: {  	[sflag:s10] =	ssyncadd.s32 $0xFFFF9C00  }
0x8a: {  	_ =	sfence.sel $0x180000  }
0x8b: {  	[bflag:$0x0] =	sbarrier.arrive $0xFFFF  }
0x8c: {  	p0 =	sne.s32 s2, $0x0;
	_ =	strace $0x90000047  }
0x8d: {  	s0 =	sadd.s32 @!p0 $0x100000, s1;
	[bflag:$0x2] =	sbarrier.arrive $0xFFFF  }
0x8e: {  	[sflag:s0] =	ssyncadd.tile.s32 @!p0 $0x1;
	_ =	shalt  }
.Lfunc_end2:
_tile_overlayer_lowered:
.L_overlay_start_2:
0x8f: {  	(tag) =	ssettag $0x2  }
0x90: {  	s0 =	rddreg [dreg:$0x0];
	s2 =	stileid.u32  }
0x91: {  	s1 =	rddreg [dreg:$0x1];
	p0 =	sne.s32 s2, $0x0  }
0x92: {  	s3 =	rddreg [dreg:$0x2];
	[bflag:$0x3] =	sbarrier.arrive $0xFFFF;
	s2 =	simm.s32 @!p0 $0x1C01  }
0x93: {  	[timem:s3], [sflag:s2] =	dma.local @!p0 [hbm:s0], s1  }
0x94: {  	s0 =	simm.s32 @!p0 $0x1  }
0x95: {  	_ =	swait.ge @!p0 [sflag:s0], s1  }
0x96: {  	s1 =	ssub.s32 @!p0 $0x0, s1;
	[sflag:s0] =	ssyncset.done @!p0 $0x0  }
0x97: {  	[sflag:s0] =	ssyncadd.s32 @!p0 s1  }
0x98: {  	[bflag:$0x3] =	sbarrier.arrive $0xFFFF  }
0x99: {  	_ =	shalt  }

</sc_bundles>
